<compile_context>
chip_gen: v7x
topology: tpu7x:2x2x1
jax: 0.10.2.dev20260603
libtpu: 0.0.44.dev20260713+nightly
codegen_flags: <defaults>
</compile_context>

<pallas_src>
import functools

import jax
import jax.numpy as jnp
from jax import lax
from jax.experimental import pallas as pl
from jax.experimental.pallas import tpu as pltpu
from jax.experimental.pallas import tpu_sc as plsc

N_NODES = 10000
N_EDGES = 320000
D = 128
NPAD = 10240

NC = 2
NS = 16
NW = NC * NS
EPW = N_EDGES // NW
CHUNK = 80
NCHD = EPW // CHUNK
RING = 3
PREF = 2
ROWS_PER_TILE = NPAD // NS

EBLK = 6400
NBLK = 1000


def _msg_body(et_ref, h_ref, s_ref, d_ref, weoh_ref, beoh_ref, wel_ref,
              bel_ref, out_ref):
    et = et_ref[0, 0, :][:, None]
    w0 = weoh_ref[0:1, :]
    w1 = weoh_ref[1:2, :]
    w2 = weoh_ref[2:3, :]
    etw = jnp.where(et == 0, w0, jnp.where(et == 1, w1, w2))
    a = s_ref[...] * d_ref[...] + etw + beoh_ref[...]
    ew = jnp.dot(a.astype(jnp.bfloat16), wel_ref[...].astype(jnp.bfloat16),
                 preferred_element_type=jnp.float32)
    out_ref[...] = h_ref[...] * (ew + bel_ref[...])


def _msg_stage(h_child, src_node, dst_node, edge_type, W_eoh, bW_eoh, W_el,
               bW_el):
    n_blk = N_EDGES // EBLK
    et3 = edge_type.reshape(n_blk, 1, EBLK)
    weoh_p = jnp.zeros((8, D), jnp.float32).at[:3].set(W_eoh)
    return pl.pallas_call(
        _msg_body,
        grid=(n_blk,),
        in_specs=[
            pl.BlockSpec((1, 1, EBLK), lambda i: (i, 0, 0)),
            pl.BlockSpec((EBLK, D), lambda i: (i, 0)),
            pl.BlockSpec((EBLK, D), lambda i: (i, 0)),
            pl.BlockSpec((EBLK, D), lambda i: (i, 0)),
            pl.BlockSpec((8, D), lambda i: (0, 0)),
            pl.BlockSpec((1, D), lambda i: (0, 0)),
            pl.BlockSpec((D, D), lambda i: (0, 0)),
            pl.BlockSpec((1, D), lambda i: (0, 0)),
        ],
        out_specs=pl.BlockSpec((EBLK, D), lambda i: (i, 0)),
        out_shape=jax.ShapeDtypeStruct((N_EDGES, D), jnp.float32),
    )(et3, h_child, src_node, dst_node, weoh_p, bW_eoh.reshape(1, D), W_el,
      bW_el.reshape(1, D))


def _sc_segsum(arrays, ids2d, zeros_hbm):
    n_arr = len(arrays)
    mesh = plsc.VectorSubcoreMesh(
        core_axis_name="c", subcore_axis_name="s", num_cores=NC,
        num_subcores=NS)

    slab_types = [pltpu.VMEM((CHUNK, D), jnp.float32)] * RING
    sem_types = [pltpu.SemaphoreType.DMA] * (2 * RING)

    @functools.partial(
        pl.kernel,
        out_type=jax.ShapeDtypeStruct((n_arr, NC, NPAD, D), jnp.float32),
        mesh=mesh,
        scratch_types=[
            pltpu.VMEM_SHARED((NPAD, D), jnp.float32),
            pltpu.VMEM((NCHD, CHUNK), jnp.int32),
        ] + slab_types + sem_types,
    )
    def k(*refs):
        val_hbms = refs[:n_arr]
        ids_hbm, zero_hbm, out_hbm, acc, ids_v = refs[n_arr:n_arr + 5]
        slab = refs[n_arr + 5:n_arr + 5 + RING]
        sem_ld = refs[n_arr + 5 + RING:n_arr + 5 + 2 * RING]
        sem_sc = refs[n_arr + 5 + 2 * RING:n_arr + 5 + 3 * RING]
        cid = lax.axis_index("c")
        sid = lax.axis_index("s")
        wid = sid * NC + cid
        base = wid * EPW
        row0 = sid * ROWS_PER_TILE

        pltpu.sync_copy(ids_hbm.at[wid], ids_v)

        def zero_acc():
            pltpu.sync_copy(zero_hbm.at[pl.ds(row0, ROWS_PER_TILE)],
                            acc.at[pl.ds(row0, ROWS_PER_TILE)])

        def load(vals, t, b):
            pltpu.async_copy(vals.at[pl.ds(base + t * CHUNK, CHUNK)],
                             slab[b], sem_ld[b])

        def wait_load(vals, b):
            pltpu.make_async_copy(vals.at[pl.ds(base, CHUNK)], slab[b],
                                  sem_ld[b]).wait()

        def fire_scatter(c, b):
            pltpu.async_copy(slab[b], acc.at[ids_v.at[c]], sem_sc[b],
                             add=True)

        def wait_scatter(b):
            pltpu.make_async_copy(slab[b], acc.at[ids_v.at[0]],
                                  sem_sc[b]).wait()

        zero_acc()
        plsc.subcore_barrier()

        for j, vals in enumerate(val_hbms):
            for i in range(PREF):
                load(vals, i, i)

            def grp(g, _, vals=vals):
                for i in range(RING):
                    c = RING * g + i
                    wait_load(vals, i)
                    fire_scatter(c, i)
                    t = c + PREF
                    bt = (i + PREF) % RING

                    def ws_ld(t=t, bt=bt):
                        wait_scatter(bt)
                        load(vals, t, bt)

                    if i == 0:
                        @pl.when(g > 0)
                        def _():
                            ws_ld()

                        @pl.when(g == 0)
                        def _(t=t, bt=bt):
                            load(vals, t, bt)
                    else:
                        ws_ld()
                return 0

            lax.fori_loop(0, NCHD // RING, grp, 0)
            for c in range(RING * (NCHD // RING), NCHD):
                b = c % RING
                wait_load(vals, b)
                fire_scatter(c, b)
            for b in range(RING):
                wait_scatter(b)
            plsc.subcore_barrier()
            pltpu.sync_copy(
                acc.at[pl.ds(row0, ROWS_PER_TILE)],
                out_hbm.at[j, cid, pl.ds(row0, ROWS_PER_TILE)])
            if j < n_arr - 1:
                zero_acc()
                plsc.subcore_barrier()

    return k(*arrays, ids2d, zeros_hbm)


def _gates_body(s_ref, wf_ref, bf_ref, wi_ref, bi_ref, wu_ref, bu_ref,
                wo_ref, bo_ref, h_ref, c_ref):
    s1 = s_ref[0, 0] + s_ref[0, 1]
    s2 = s_ref[1, 0] + s_ref[1, 1]
    s3 = s_ref[2, 0] + s_ref[2, 1]
    hsum = jnp.concatenate([s1, s2], axis=1)
    f = jax.nn.sigmoid(
        jnp.dot(hsum, wf_ref[...], preferred_element_type=jnp.float32)
        + bf_ref[...])
    i = jax.nn.sigmoid(
        jnp.dot(hsum, wi_ref[...], preferred_element_type=jnp.float32)
        + bi_ref[...])
    u = jnp.tanh(
        jnp.dot(hsum, wu_ref[...], preferred_element_type=jnp.float32)
        + bu_ref[...])
    o = jax.nn.sigmoid(
        jnp.dot(hsum, wo_ref[...], preferred_element_type=jnp.float32)
        + bo_ref[...])
    c = i * u + f * s3
    c_ref[...] = c
    h_ref[...] = o * jnp.tanh(c)


def _gates_stage(S, W_f, bias_f, W_i, bias_i, W_u, bias_u, W_o, bias_o):
    n_blk = N_NODES // NBLK
    wspec = pl.BlockSpec((2 * D, D), lambda i: (0, 0))
    bspec = pl.BlockSpec((1, D), lambda i: (0, 0))
    return pl.pallas_call(
        _gates_body,
        grid=(n_blk,),
        in_specs=[
            pl.BlockSpec((3, NC, NBLK, D), lambda i: (0, 0, i, 0)),
            wspec, bspec, wspec, bspec, wspec, bspec, wspec, bspec,
        ],
        out_specs=[
            pl.BlockSpec((NBLK, D), lambda i: (i, 0)),
            pl.BlockSpec((NBLK, D), lambda i: (i, 0)),
        ],
        out_shape=[
            jax.ShapeDtypeStruct((N_NODES, D), jnp.float32),
            jax.ShapeDtypeStruct((N_NODES, D), jnp.float32),
        ],
    )(S, W_f, bias_f, W_i, bias_i, W_u, bias_u, W_o, bias_o)


def kernel(h_child, c_child, embed_dst, src_node, dst_node, edge_type,
           dst_ids, W_f, bW_f, b_f, W_i, bW_i, b_i, W_u, bW_u, b_u, W_o,
           bW_o, b_o, W_eoh, bW_eoh, W_el, bW_el):
    zeros_hbm = jnp.zeros((NPAD, D), jnp.float32)
    msg = _msg_stage(h_child, src_node, dst_node, edge_type, W_eoh, bW_eoh,
                     W_el, bW_el)
    ids2d = dst_ids.reshape(NW, NCHD, CHUNK)
    S = _sc_segsum((msg, embed_dst, c_child), ids2d, zeros_hbm)
    h, c = _gates_stage(
        S,
        W_f, (bW_f + b_f).reshape(1, D),
        W_i, (bW_i + b_i).reshape(1, D),
        W_u, (bW_u + b_u).reshape(1, D),
        W_o, (bW_o + b_o).reshape(1, D),
    )
    return (h, c)

# --- scband reference (transcript-rebuilt; emitter-appended) ---
"""Pipeline reference for scband-child-sum-tree-lstmcell-84722524881532 (READ-ONLY COPY).

The authoritative reference and input builder live on the scoring server;
editing this copy changes nothing except your own understanding.
"""

import jax, jax.numpy as jnp
import numpy as np

N_NODES = 10000
N_EDGES = 320000
X_SIZE = 128
H_SIZE = 128
G_DIM = 128


def _lin(key, fan_in, fan_out):
    s = 1.0 / np.sqrt(fan_in)
    kw, kb = jax.random.split(key)
    W = jax.random.uniform(kw, (fan_in, fan_out), jnp.float32, -s, s)
    b = jax.random.uniform(kb, (fan_out,), jnp.float32, -s, s)
    return W, b


def setup_inputs(seed: int = 0):
    key = jax.random.key(seed)
    ks = jax.random.split(key, 16)
    inp = {}
    inp['h_child'] = jax.random.normal(ks[0], (N_EDGES, H_SIZE), jnp.float32)
    inp['c_child'] = jax.random.normal(ks[1], (N_EDGES, H_SIZE), jnp.float32)
    inp['embed_dst'] = jax.random.normal(ks[2], (N_EDGES, X_SIZE), jnp.float32)
    inp['src_node'] = jax.random.normal(ks[3], (N_EDGES, G_DIM), jnp.float32)
    inp['dst_node'] = jax.random.normal(ks[4], (N_EDGES, G_DIM), jnp.float32)
    inp['edge_type'] = jax.random.randint(ks[5], (N_EDGES,), 0, 3, jnp.int32)
    inp['dst_ids'] = jnp.sort(jax.random.randint(ks[6], (N_EDGES,), 0, N_NODES, jnp.int32))
    inp['W_f'], inp['bW_f'] = _lin(ks[7], X_SIZE + H_SIZE, H_SIZE)
    inp['b_f'] = jnp.zeros((H_SIZE,), jnp.float32)
    inp['W_i'], inp['bW_i'] = _lin(ks[8], X_SIZE + H_SIZE, H_SIZE)
    inp['b_i'] = jnp.zeros((H_SIZE,), jnp.float32)
    inp['W_u'], inp['bW_u'] = _lin(ks[9], X_SIZE + H_SIZE, H_SIZE)
    inp['b_u'] = jnp.zeros((H_SIZE,), jnp.float32)
    inp['W_o'], inp['bW_o'] = _lin(ks[10], X_SIZE + H_SIZE, H_SIZE)
    inp['b_o'] = jnp.zeros((H_SIZE,), jnp.float32)
    inp['W_eoh'], inp['bW_eoh'] = _lin(ks[11], 3, G_DIM)
    inp['W_el'], inp['bW_el'] = _lin(ks[12], G_DIM, H_SIZE)
    return inp


def reference(h_child, c_child, embed_dst, src_node, dst_node, edge_type, dst_ids,
              W_f, bW_f, b_f, W_i, bW_i, b_i, W_u, bW_u, b_u, W_o, bW_o, b_o,
              W_eoh, bW_eoh, W_el, bW_el):
    # message_func: per-edge edge-weight modulation of child hidden states
    eo = jax.nn.one_hot(edge_type, 3, dtype=jnp.float32)
    edge_w = src_node * dst_node + (eo @ W_eoh + bW_eoh)
    edge_w = edge_w @ W_el + bW_el
    # reduce_func: concat modulated h with dst embed, segment-sum over children
    h2 = jnp.concatenate([h_child * edge_w, embed_dst], axis=1)
    h_sum = jax.ops.segment_sum(h2, dst_ids, num_segments=N_NODES)
    f = jax.nn.sigmoid(h_sum @ W_f + bW_f + b_f)
    c_tilde = jax.ops.segment_sum(f[dst_ids] * c_child, dst_ids, num_segments=N_NODES)
    # apply_node_func: LSTM cell update per node
    i = jax.nn.sigmoid(h_sum @ W_i + bW_i + b_i)
    u = jnp.tanh(h_sum @ W_u + bW_u + b_u)
    c = i * u + c_tilde
    o = jax.nn.sigmoid(h_sum @ W_o + bW_o + b_o)
    h = o * jnp.tanh(c)
    return (h, c)

if __name__ == "__main__":
    import jax
    _d = setup_inputs()
    print(jax.jit(kernel)(*tuple(_d.values())))

</pallas_src>

<mosaic_0001>
#map = affine_map<(d0, d1) -> (0, 0)>
#map1 = affine_map<(d0, d1) -> (0, 0, 0)>
#map2 = affine_map<(d0, d1) -> (0, 0, 0, 0)>
module attributes {stable_mosaic.version = 14 : i64} {
  func.func @k(%arg0: i32, %arg1: i32, %arg2: memref<320000x128xf32, #tpu.memory_space<hbm>>, %arg3: memref<320000x128xf32, #tpu.memory_space<hbm>>, %arg4: memref<320000x128xf32, #tpu.memory_space<hbm>>, %arg5: memref<32x125x80xi32, #tpu.memory_space<hbm>>, %arg6: memref<10240x128xf32, #tpu.memory_space<hbm>>, %arg7: memref<3x2x10240x128xf32, #tpu.memory_space<hbm>>, %arg8: memref<10240x128xf32, #tpu.memory_space<vmem_shared>>, %arg9: memref<125x80xi32, #tpu.memory_space<vmem>>, %arg10: memref<80x128xf32, #tpu.memory_space<vmem>>, %arg11: memref<80x128xf32, #tpu.memory_space<vmem>>, %arg12: memref<80x128xf32, #tpu.memory_space<vmem>>, %arg13: memref<!tpu.dma_semaphore, #tpu.memory_space<semaphore_mem>>, %arg14: memref<!tpu.dma_semaphore, #tpu.memory_space<semaphore_mem>>, %arg15: memref<!tpu.dma_semaphore, #tpu.memory_space<semaphore_mem>>, %arg16: memref<!tpu.dma_semaphore, #tpu.memory_space<semaphore_mem>>, %arg17: memref<!tpu.dma_semaphore, #tpu.memory_space<semaphore_mem>>, %arg18: memref<!tpu.dma_semaphore, #tpu.memory_space<semaphore_mem>>) attributes {dimension_semantics = [#tpu.dimension_semantics<core_parallel>, #tpu.dimension_semantics<subcore_parallel>], iteration_bounds = array<i64: 2, 16>, scalar_prefetch = 0 : i64, scratch_operands = 11 : i64, tpu.core_type = #tpu.core_type<sc_vector_subcore>, window_params = [{transform_indices = #map}, {transform_indices = #map}, {transform_indices = #map}, {transform_indices = #map1}, {transform_indices = #map}, {transform_indices = #map2}]} {
    %mul3A = arith.constant 2 : i32
    %mul3A_0 = arith.muli %arg1, %mul3A : i32
    %add3A = arith.addi %mul3A_0, %arg0 : i32
    %mul3A_1 = arith.constant 10000 : i32
    %mul3A_2 = arith.muli %add3A, %mul3A_1 : i32
    %mul3A_3 = arith.constant 640 : i32
    %mul3A_4 = arith.muli %arg1, %mul3A_3 : i32
    "tpu.region"() ({
      %run_scoped3A_195 = tpu.sem_alloc : memref<!tpu.dma_semaphore, #tpu.memory_space<semaphore_mem>>
      %dma_start3A_196 = arith.constant 0 : i32
      %dma_start3A_197 = arith.constant 0 : i32
      %dma_start3A_198 = tpu.memref_slice %arg5[%add3A, %dma_start3A_196, %dma_start3A_197] : memref<32x125x80xi32, #tpu.memory_space<hbm>> -> memref<1x125x80xi32, #tpu.memory_space<hbm>>
      %dma_start3A_199 = tpu.memref_squeeze %dma_start3A_198 : memref<1x125x80xi32, #tpu.memory_space<hbm>> -> memref<125x80xi32, #tpu.memory_space<hbm>>
      %dma_start3A_200 = arith.constant 0 : i32
      %dma_start3A_201 = arith.constant 0 : i32
      %dma_start3A_202 = tpu.memref_slice %arg5[%add3A, %dma_start3A_200, %dma_start3A_201] : memref<32x125x80xi32, #tpu.memory_space<hbm>> -> memref<1x125x80xi32, #tpu.memory_space<hbm>>
      %dma_start3A_203 = tpu.memref_squeeze %dma_start3A_202 : memref<1x125x80xi32, #tpu.memory_space<hbm>> -> memref<125x80xi32, #tpu.memory_space<hbm>>
      tpu.enqueue_dma source(%dma_start3A_203 : memref<125x80xi32, #tpu.memory_space<hbm>>) target(%arg9 : memref<125x80xi32, #tpu.memory_space<vmem>>) target_semaphore(%run_scoped3A_195 : memref<!tpu.dma_semaphore, #tpu.memory_space<semaphore_mem>>)
      %dma_wait3A_204 = arith.constant 0 : i32
      %dma_wait3A_205 = arith.constant 0 : i32
      %dma_wait3A_206 = tpu.memref_slice %arg5[%add3A, %dma_wait3A_204, %dma_wait3A_205] : memref<32x125x80xi32, #tpu.memory_space<hbm>> -> memref<1x125x80xi32, #tpu.memory_space<hbm>>
      %dma_wait3A_207 = tpu.memref_squeeze %dma_wait3A_206 : memref<1x125x80xi32, #tpu.memory_space<hbm>> -> memref<125x80xi32, #tpu.memory_space<hbm>>
      %dma_wait3A_208 = arith.constant 0 : i32
      %dma_wait3A_209 = arith.constant 0 : i32
      %dma_wait3A_210 = tpu.memref_slice %arg5[%add3A, %dma_wait3A_208, %dma_wait3A_209] : memref<32x125x80xi32, #tpu.memory_space<hbm>> -> memref<1x125x80xi32, #tpu.memory_space<hbm>>
      %dma_wait3A_211 = tpu.memref_squeeze %dma_wait3A_210 : memref<1x125x80xi32, #tpu.memory_space<hbm>> -> memref<125x80xi32, #tpu.memory_space<hbm>>
      tpu.wait_dma2 semaphore(%run_scoped3A_195 : memref<!tpu.dma_semaphore, #tpu.memory_space<semaphore_mem>>) src(%dma_wait3A_211 : memref<125x80xi32, #tpu.memory_space<hbm>>) dst(%arg9 : memref<125x80xi32, #tpu.memory_space<vmem>>)
      tpu.yield
    }) : () -> ()
    "tpu.region"() ({
      %run_scoped3A_195 = tpu.sem_alloc : memref<!tpu.dma_semaphore, #tpu.memory_space<semaphore_mem>>
      %dma_start3A_196 = arith.constant 0 : i32
      %dma_start3A_197 = tpu.memref_slice %arg8[%mul3A_4, %dma_start3A_196] : memref<10240x128xf32, #tpu.memory_space<vmem_shared>> -> memref<640x128xf32, #tpu.memory_space<vmem_shared>>
      %dma_start3A_198 = arith.constant 0 : i32
      %dma_start3A_199 = tpu.memref_slice %arg6[%mul3A_4, %dma_start3A_198] : memref<10240x128xf32, #tpu.memory_space<hbm>> -> memref<640x128xf32, #tpu.memory_space<hbm>>
      tpu.enqueue_dma source(%dma_start3A_199 : memref<640x128xf32, #tpu.memory_space<hbm>>) target(%dma_start3A_197 : memref<640x128xf32, #tpu.memory_space<vmem_shared>>) target_semaphore(%run_scoped3A_195 : memref<!tpu.dma_semaphore, #tpu.memory_space<semaphore_mem>>)
      %dma_wait3A_200 = arith.constant 0 : i32
      %dma_wait3A_201 = tpu.memref_slice %arg8[%mul3A_4, %dma_wait3A_200] : memref<10240x128xf32, #tpu.memory_space<vmem_shared>> -> memref<640x128xf32, #tpu.memory_space<vmem_shared>>
      %dma_wait3A_202 = arith.constant 0 : i32
      %dma_wait3A_203 = tpu.memref_slice %arg6[%mul3A_4, %dma_wait3A_202] : memref<10240x128xf32, #tpu.memory_space<hbm>> -> memref<640x128xf32, #tpu.memory_space<hbm>>
      tpu.wait_dma2 semaphore(%run_scoped3A_195 : memref<!tpu.dma_semaphore, #tpu.memory_space<semaphore_mem>>) src(%dma_wait3A_203 : memref<640x128xf32, #tpu.memory_space<hbm>>) dst(%dma_wait3A_201 : memref<640x128xf32, #tpu.memory_space<vmem_shared>>)
      tpu.yield
    }) : () -> ()
    %barrier3A = arith.constant 0 : index
    tpu.barrier barrier_id(%barrier3A)
    %add3A_5 = arith.constant 0 : i32
    %add3A_6 = arith.addi %mul3A_2, %add3A_5 : i32
    %dma_start3A = arith.constant 0 : i32
    %dma_start3A_7 = tpu.memref_slice %arg2[%add3A_6, %dma_start3A] : memref<320000x128xf32, #tpu.memory_space<hbm>> -> memref<80x128xf32, #tpu.memory_space<hbm>>
    %dma_start3A_8 = arith.constant 0 : i32
    %dma_start3A_9 = tpu.memref_slice %arg2[%add3A_6, %dma_start3A_8] : memref<320000x128xf32, #tpu.memory_space<hbm>> -> memref<80x128xf32, #tpu.memory_space<hbm>>
    tpu.enqueue_dma source(%dma_start3A_9 : memref<80x128xf32, #tpu.memory_space<hbm>>) target(%arg10 : memref<80x128xf32, #tpu.memory_space<vmem>>) target_semaphore(%arg13 : memref<!tpu.dma_semaphore, #tpu.memory_space<semaphore_mem>>)
    %add3A_10 = arith.constant 80 : i32
    %add3A_11 = arith.addi %mul3A_2, %add3A_10 : i32
    %dma_start3A_12 = arith.constant 0 : i32
    %dma_start3A_13 = tpu.memref_slice %arg2[%add3A_11, %dma_start3A_12] : memref<320000x128xf32, #tpu.memory_space<hbm>> -> memref<80x128xf32, #tpu.memory_space<hbm>>
    %dma_start3A_14 = arith.constant 0 : i32
    %dma_start3A_15 = tpu.memref_slice %arg2[%add3A_11, %dma_start3A_14] : memref<320000x128xf32, #tpu.memory_space<hbm>> -> memref<80x128xf32, #tpu.memory_space<hbm>>
    tpu.enqueue_dma source(%dma_start3A_15 : memref<80x128xf32, #tpu.memory_space<hbm>>) target(%arg11 : memref<80x128xf32, #tpu.memory_space<vmem>>) target_semaphore(%arg14 : memref<!tpu.dma_semaphore, #tpu.memory_space<semaphore_mem>>)
    %scan3A = arith.constant 0 : i32
    %scan3A_16 = arith.constant 0 : i32
    %scan3A_17 = arith.constant 41 : i32
    %scan3A_18 = arith.addi %scan3A_16, %scan3A_17 : i32
    %scan3A_19 = arith.constant 1 : i32
    %scan3A_20 = scf.for %scan3A_195 = %scan3A_16 to %scan3A_18 step %scan3A_19 iter_args(%scan3A_196 = %scan3A) -> (i32)  : i32 {
      %mul3A_197 = arith.constant 3 : i32
      %mul3A_198 = arith.muli %mul3A_197, %scan3A_195 : i32
      %add3A_199 = arith.constant 0 : i32
      %add3A_200 = arith.addi %mul3A_198, %add3A_199 : i32
      %dma_wait3A_201 = arith.constant 0 : i32
      %dma_wait3A_202 = tpu.memref_slice %arg2[%mul3A_2, %dma_wait3A_201] : memref<320000x128xf32, #tpu.memory_space<hbm>> -> memref<80x128xf32, #tpu.memory_space<hbm>>
      %dma_wait3A_203 = arith.constant 0 : i32
      %dma_wait3A_204 = tpu.memref_slice %arg2[%mul3A_2, %dma_wait3A_203] : memref<320000x128xf32, #tpu.memory_space<hbm>> -> memref<80x128xf32, #tpu.memory_space<hbm>>
      tpu.wait_dma2 semaphore(%arg13 : memref<!tpu.dma_semaphore, #tpu.memory_space<semaphore_mem>>) src(%dma_wait3A_204 : memref<80x128xf32, #tpu.memory_space<hbm>>) dst(%arg10 : memref<80x128xf32, #tpu.memory_space<vmem>>)
      %dma_start3A_205 = arith.constant 0 : i32
      %dma_start3A_206 = tpu.memref_slice %arg9[%add3A_200, %dma_start3A_205] : memref<125x80xi32, #tpu.memory_space<vmem>> -> memref<1x80xi32, #tpu.memory_space<vmem>>
      %dma_start3A_207 = tpu.memref_squeeze %dma_start3A_206 : memref<1x80xi32, #tpu.memory_space<vmem>> -> memref<80xi32, #tpu.memory_space<vmem>>
      %dma_start3A_208 = arith.constant 0 : i32
      %dma_start3A_209 = arith.constant 0 : i32
      %dma_start3A_210 = tpu.memref_slice %arg8[%dma_start3A_208, %dma_start3A_209] : memref<10240x128xf32, #tpu.memory_space<vmem_shared>> -> memref<10240x128xf32, #tpu.memory_space<vmem_shared>>
      tpu.enqueue_indirect_dma source(%arg10 : memref<80x128xf32, #tpu.memory_space<vmem>>) target(%dma_start3A_210 : memref<10240x128xf32, #tpu.memory_space<vmem_shared>>) offsets(%dma_start3A_207 : memref<80xi32, #tpu.memory_space<vmem>>) semaphore(%arg16 : memref<!tpu.dma_semaphore, #tpu.memory_space<semaphore_mem>>) {add = true}
      %add3A_211 = arith.constant 2 : i32
      %add3A_212 = arith.addi %add3A_200, %add3A_211 : i32
      %gt3A = arith.constant 0 : i32
      %gt3A_213 = arith.cmpi sgt, %scan3A_195, %gt3A : i32
      %convert_element_type3A = arith.extui %gt3A_213 : i1 to i32
      %cond3A = arith.constant 0 : i32
      %cond3A_214 = arith.cmpi ne, %convert_element_type3A, %cond3A : i32
      scf.if %cond3A_214 {
        %dma_wait3A_280 = arith.constant 0 : i32
        %dma_wait3A_281 = arith.constant 0 : i32
        %dma_wait3A_282 = tpu.memref_slice %arg9[%dma_wait3A_280, %dma_wait3A_281] : memref<125x80xi32, #tpu.memory_space<vmem>> -> memref<1x80xi32, #tpu.memory_space<vmem>>
        %dma_wait3A_283 = tpu.memref_squeeze %dma_wait3A_282 : memref<1x80xi32, #tpu.memory_space<vmem>> -> memref<80xi32, #tpu.memory_space<vmem>>
        %dma_wait3A_284 = arith.constant 0 : i32
        %dma_wait3A_285 = arith.constant 0 : i32
        %dma_wait3A_286 = tpu.memref_slice %arg8[%dma_wait3A_284, %dma_wait3A_285] : memref<10240x128xf32, #tpu.memory_space<vmem_shared>> -> memref<10240x128xf32, #tpu.memory_space<vmem_shared>>
        tpu.wait_indirect_dma semaphore(%arg18 : memref<!tpu.dma_semaphore, #tpu.memory_space<semaphore_mem>>) src(%arg12 : memref<80x128xf32, #tpu.memory_space<vmem>>) dst(%dma_wait3A_286 : memref<10240x128xf32, #tpu.memory_space<vmem_shared>>)
        %mul3A_287 = arith.constant 80 : i32
        %mul3A_288 = arith.muli %add3A_212, %mul3A_287 : i32
        %add3A_289 = arith.addi %mul3A_2, %mul3A_288 : i32
        %dma_start3A_290 = arith.constant 0 : i32
        %dma_start3A_291 = tpu.memref_slice %arg2[%add3A_289, %dma_start3A_290] : memref<320000x128xf32, #tpu.memory_space<hbm>> -> memref<80x128xf32, #tpu.memory_space<hbm>>
        %dma_start3A_292 = arith.constant 0 : i32
        %dma_start3A_293 = tpu.memref_slice %arg2[%add3A_289, %dma_start3A_292] : memref<320000x128xf32, #tpu.memory_space<hbm>> -> memref<80x128xf32, #tpu.memory_space<hbm>>
        tpu.enqueue_dma source(%dma_start3A_293 : memref<80x128xf32, #tpu.memory_space<hbm>>) target(%arg12 : memref<80x128xf32, #tpu.memory_space<vmem>>) target_semaphore(%arg15 : memref<!tpu.dma_semaphore, #tpu.memory_space<semaphore_mem>>)
      } else {
      }
      %eq3A = arith.constant 0 : i32
      %eq3A_215 = arith.cmpi eq, %scan3A_195, %eq3A : i32
      %convert_element_type3A_216 = arith.extui %eq3A_215 : i1 to i32
      %cond3A_217 = arith.constant 0 : i32
      %cond3A_218 = arith.cmpi ne, %convert_element_type3A_216, %cond3A_217 : i32
      scf.if %cond3A_218 {
        %mul3A_280 = arith.constant 80 : i32
        %mul3A_281 = arith.muli %add3A_212, %mul3A_280 : i32
        %add3A_282 = arith.addi %mul3A_2, %mul3A_281 : i32
        %dma_start3A_283 = arith.constant 0 : i32
        %dma_start3A_284 = tpu.memref_slice %arg2[%add3A_282, %dma_start3A_283] : memref<320000x128xf32, #tpu.memory_space<hbm>> -> memref<80x128xf32, #tpu.memory_space<hbm>>
        %dma_start3A_285 = arith.constant 0 : i32
        %dma_start3A_286 = tpu.memref_slice %arg2[%add3A_282, %dma_start3A_285] : memref<320000x128xf32, #tpu.memory_space<hbm>> -> memref<80x128xf32, #tpu.memory_space<hbm>>
        tpu.enqueue_dma source(%dma_start3A_286 : memref<80x128xf32, #tpu.memory_space<hbm>>) target(%arg12 : memref<80x128xf32, #tpu.memory_space<vmem>>) target_semaphore(%arg15 : memref<!tpu.dma_semaphore, #tpu.memory_space<semaphore_mem>>)
      } else {
      }
      %mul3A_219 = arith.constant 3 : i32
      %mul3A_220 = arith.muli %mul3A_219, %scan3A_195 : i32
      %add3A_221 = arith.constant 1 : i32
      %add3A_222 = arith.addi %mul3A_220, %add3A_221 : i32
      %dma_wait3A_223 = arith.constant 0 : i32
      %dma_wait3A_224 = tpu.memref_slice %arg2[%mul3A_2, %dma_wait3A_223] : memref<320000x128xf32, #tpu.memory_space<hbm>> -> memref<80x128xf32, #tpu.memory_space<hbm>>
      %dma_wait3A_225 = arith.constant 0 : i32
      %dma_wait3A_226 = tpu.memref_slice %arg2[%mul3A_2, %dma_wait3A_225] : memref<320000x128xf32, #tpu.memory_space<hbm>> -> memref<80x128xf32, #tpu.memory_space<hbm>>
      tpu.wait_dma2 semaphore(%arg14 : memref<!tpu.dma_semaphore, #tpu.memory_space<semaphore_mem>>) src(%dma_wait3A_226 : memref<80x128xf32, #tpu.memory_space<hbm>>) dst(%arg11 : memref<80x128xf32, #tpu.memory_space<vmem>>)
      %dma_start3A_227 = arith.constant 0 : i32
      %dma_start3A_228 = tpu.memref_slice %arg9[%add3A_222, %dma_start3A_227] : memref<125x80xi32, #tpu.memory_space<vmem>> -> memref<1x80xi32, #tpu.memory_space<vmem>>
      %dma_start3A_229 = tpu.memref_squeeze %dma_start3A_228 : memref<1x80xi32, #tpu.memory_space<vmem>> -> memref<80xi32, #tpu.memory_space<vmem>>
      %dma_start3A_230 = arith.constant 0 : i32
      %dma_start3A_231 = arith.constant 0 : i32
      %dma_start3A_232 = tpu.memref_slice %arg8[%dma_start3A_230, %dma_start3A_231] : memref<10240x128xf32, #tpu.memory_space<vmem_shared>> -> memref<10240x128xf32, #tpu.memory_space<vmem_shared>>
      tpu.enqueue_indirect_dma source(%arg11 : memref<80x128xf32, #tpu.memory_space<vmem>>) target(%dma_start3A_232 : memref<10240x128xf32, #tpu.memory_space<vmem_shared>>) offsets(%dma_start3A_229 : memref<80xi32, #tpu.memory_space<vmem>>) semaphore(%arg17 : memref<!tpu.dma_semaphore, #tpu.memory_space<semaphore_mem>>) {add = true}
      %add3A_233 = arith.constant 2 : i32
      %add3A_234 = arith.addi %add3A_222, %add3A_233 : i32
      %dma_wait3A_235 = arith.constant 0 : i32
      %dma_wait3A_236 = arith.constant 0 : i32
      %dma_wait3A_237 = tpu.memref_slice %arg9[%dma_wait3A_235, %dma_wait3A_236] : memref<125x80xi32, #tpu.memory_space<vmem>> -> memref<1x80xi32, #tpu.memory_space<vmem>>
      %dma_wait3A_238 = tpu.memref_squeeze %dma_wait3A_237 : memref<1x80xi32, #tpu.memory_space<vmem>> -> memref<80xi32, #tpu.memory_space<vmem>>
      %dma_wait3A_239 = arith.constant 0 : i32
      %dma_wait3A_240 = arith.constant 0 : i32
      %dma_wait3A_241 = tpu.memref_slice %arg8[%dma_wait3A_239, %dma_wait3A_240] : memref<10240x128xf32, #tpu.memory_space<vmem_shared>> -> memref<10240x128xf32, #tpu.memory_space<vmem_shared>>
      tpu.wait_indirect_dma semaphore(%arg16 : memref<!tpu.dma_semaphore, #tpu.memory_space<semaphore_mem>>) src(%arg10 : memref<80x128xf32, #tpu.memory_space<vmem>>) dst(%dma_wait3A_241 : memref<10240x128xf32, #tpu.memory_space<vmem_shared>>)
      %mul3A_242 = arith.constant 80 : i32
      %mul3A_243 = arith.muli %add3A_234, %mul3A_242 : i32
      %add3A_244 = arith.addi %mul3A_2, %mul3A_243 : i32
      %dma_start3A_245 = arith.constant 0 : i32
      %dma_start3A_246 = tpu.memref_slice %arg2[%add3A_244, %dma_start3A_245] : memref<320000x128xf32, #tpu.memory_space<hbm>> -> memref<80x128xf32, #tpu.memory_space<hbm>>
      %dma_start3A_247 = arith.constant 0 : i32
      %dma_start3A_248 = tpu.memref_slice %arg2[%add3A_244, %dma_start3A_247] : memref<320000x128xf32, #tpu.memory_space<hbm>> -> memref<80x128xf32, #tpu.memory_space<hbm>>
      tpu.enqueue_dma source(%dma_start3A_248 : memref<80x128xf32, #tpu.memory_space<hbm>>) target(%arg10 : memref<80x128xf32, #tpu.memory_space<vmem>>) target_semaphore(%arg13 : memref<!tpu.dma_semaphore, #tpu.memory_space<semaphore_mem>>)
      %mul3A_249 = arith.constant 3 : i32
      %mul3A_250 = arith.muli %mul3A_249, %scan3A_195 : i32
      %add3A_251 = arith.constant 2 : i32
      %add3A_252 = arith.addi %mul3A_250, %add3A_251 : i32
      %dma_wait3A_253 = arith.constant 0 : i32
      %dma_wait3A_254 = tpu.memref_slice %arg2[%mul3A_2, %dma_wait3A_253] : memref<320000x128xf32, #tpu.memory_space<hbm>> -> memref<80x128xf32, #tpu.memory_space<hbm>>
      %dma_wait3A_255 = arith.constant 0 : i32
      %dma_wait3A_256 = tpu.memref_slice %arg2[%mul3A_2, %dma_wait3A_255] : memref<320000x128xf32, #tpu.memory_space<hbm>> -> memref<80x128xf32, #tpu.memory_space<hbm>>
      tpu.wait_dma2 semaphore(%arg15 : memref<!tpu.dma_semaphore, #tpu.memory_space<semaphore_mem>>) src(%dma_wait3A_256 : memref<80x128xf32, #tpu.memory_space<hbm>>) dst(%arg12 : memref<80x128xf32, #tpu.memory_space<vmem>>)
      %dma_start3A_257 = arith.constant 0 : i32
      %dma_start3A_258 = tpu.memref_slice %arg9[%add3A_252, %dma_start3A_257] : memref<125x80xi32, #tpu.memory_space<vmem>> -> memref<1x80xi32, #tpu.memory_space<vmem>>
      %dma_start3A_259 = tpu.memref_squeeze %dma_start3A_258 : memref<1x80xi32, #tpu.memory_space<vmem>> -> memref<80xi32, #tpu.memory_space<vmem>>
      %dma_start3A_260 = arith.constant 0 : i32
      %dma_start3A_261 = arith.constant 0 : i32
      %dma_start3A_262 = tpu.memref_slice %arg8[%dma_start3A_260, %dma_start3A_261] : memref<10240x128xf32, #tpu.memory_space<vmem_shared>> -> memref<10240x128xf32, #tpu.memory_space<vmem_shared>>
      tpu.enqueue_indirect_dma source(%arg12 : memref<80x128xf32, #tpu.memory_space<vmem>>) target(%dma_start3A_262 : memref<10240x128xf32, #tpu.memory_space<vmem_shared>>) offsets(%dma_start3A_259 : memref<80xi32, #tpu.memory_space<vmem>>) semaphore(%arg18 : memref<!tpu.dma_semaphore, #tpu.memory_space<semaphore_mem>>) {add = true}
      %add3A_263 = arith.constant 2 : i32
      %add3A_264 = arith.addi %add3A_252, %add3A_263 : i32
      %dma_wait3A_265 = arith.constant 0 : i32
      %dma_wait3A_266 = arith.constant 0 : i32
      %dma_wait3A_267 = tpu.memref_slice %arg9[%dma_wait3A_265, %dma_wait3A_266] : memref<125x80xi32, #tpu.memory_space<vmem>> -> memref<1x80xi32, #tpu.memory_space<vmem>>
      %dma_wait3A_268 = tpu.memref_squeeze %dma_wait3A_267 : memref<1x80xi32, #tpu.memory_space<vmem>> -> memref<80xi32, #tpu.memory_space<vmem>>
      %dma_wait3A_269 = arith.constant 0 : i32
      %dma_wait3A_270 = arith.constant 0 : i32
      %dma_wait3A_271 = tpu.memref_slice %arg8[%dma_wait3A_269, %dma_wait3A_270] : memref<10240x128xf32, #tpu.memory_space<vmem_shared>> -> memref<10240x128xf32, #tpu.memory_space<vmem_shared>>
      tpu.wait_indirect_dma semaphore(%arg17 : memref<!tpu.dma_semaphore, #tpu.memory_space<semaphore_mem>>) src(%arg11 : memref<80x128xf32, #tpu.memory_space<vmem>>) dst(%dma_wait3A_271 : memref<10240x128xf32, #tpu.memory_space<vmem_shared>>)
      %mul3A_272 = arith.constant 80 : i32
      %mul3A_273 = arith.muli %add3A_264, %mul3A_272 : i32
      %add3A_274 = arith.addi %mul3A_2, %mul3A_273 : i32
      %dma_start3A_275 = arith.constant 0 : i32
      %dma_start3A_276 = tpu.memref_slice %arg2[%add3A_274, %dma_start3A_275] : memref<320000x128xf32, #tpu.memory_space<hbm>> -> memref<80x128xf32, #tpu.memory_space<hbm>>
      %dma_start3A_277 = arith.constant 0 : i32
      %dma_start3A_278 = tpu.memref_slice %arg2[%add3A_274, %dma_start3A_277] : memref<320000x128xf32, #tpu.memory_space<hbm>> -> memref<80x128xf32, #tpu.memory_space<hbm>>
      tpu.enqueue_dma source(%dma_start3A_278 : memref<80x128xf32, #tpu.memory_space<hbm>>) target(%arg11 : memref<80x128xf32, #tpu.memory_space<vmem>>) target_semaphore(%arg14 : memref<!tpu.dma_semaphore, #tpu.memory_space<semaphore_mem>>)
      %scan3A_279 = arith.constant 0 : i32
      scf.yield %scan3A_279 : i32
    }
    %scan3A_21 = arith.constant 41 : i32
    %dma_wait3A = arith.constant 0 : i32
    %dma_wait3A_22 = tpu.memref_slice %arg2[%mul3A_2, %dma_wait3A] : memref<320000x128xf32, #tpu.memory_space<hbm>> -> memref<80x128xf32, #tpu.memory_space<hbm>>
    %dma_wait3A_23 = arith.constant 0 : i32
    %dma_wait3A_24 = tpu.memref_slice %arg2[%mul3A_2, %dma_wait3A_23] : memref<320000x128xf32, #tpu.memory_space<hbm>> -> memref<80x128xf32, #tpu.memory_space<hbm>>
    tpu.wait_dma2 semaphore(%arg13 : memref<!tpu.dma_semaphore, #tpu.memory_space<semaphore_mem>>) src(%dma_wait3A_24 : memref<80x128xf32, #tpu.memory_space<hbm>>) dst(%arg10 : memref<80x128xf32, #tpu.memory_space<vmem>>)
    %dma_start3A_25 = arith.constant 123 : i32
    %dma_start3A_26 = arith.constant 0 : i32
    %dma_start3A_27 = tpu.memref_slice %arg9[%dma_start3A_25, %dma_start3A_26] : memref<125x80xi32, #tpu.memory_space<vmem>> -> memref<1x80xi32, #tpu.memory_space<vmem>>
    %dma_start3A_28 = tpu.memref_squeeze %dma_start3A_27 : memref<1x80xi32, #tpu.memory_space<vmem>> -> memref<80xi32, #tpu.memory_space<vmem>>
    %dma_start3A_29 = arith.constant 0 : i32
    %dma_start3A_30 = arith.constant 0 : i32
    %dma_start3A_31 = tpu.memref_slice %arg8[%dma_start3A_29, %dma_start3A_30] : memref<10240x128xf32, #tpu.memory_space<vmem_shared>> -> memref<10240x128xf32, #tpu.memory_space<vmem_shared>>
    tpu.enqueue_indirect_dma source(%arg10 : memref<80x128xf32, #tpu.memory_space<vmem>>) target(%dma_start3A_31 : memref<10240x128xf32, #tpu.memory_space<vmem_shared>>) offsets(%dma_start3A_28 : memref<80xi32, #tpu.memory_space<vmem>>) semaphore(%arg16 : memref<!tpu.dma_semaphore, #tpu.memory_space<semaphore_mem>>) {add = true}
    %dma_wait3A_32 = arith.constant 0 : i32
    %dma_wait3A_33 = tpu.memref_slice %arg2[%mul3A_2, %dma_wait3A_32] : memref<320000x128xf32, #tpu.memory_space<hbm>> -> memref<80x128xf32, #tpu.memory_space<hbm>>
    %dma_wait3A_34 = arith.constant 0 : i32
    %dma_wait3A_35 = tpu.memref_slice %arg2[%mul3A_2, %dma_wait3A_34] : memref<320000x128xf32, #tpu.memory_space<hbm>> -> memref<80x128xf32, #tpu.memory_space<hbm>>
    tpu.wait_dma2 semaphore(%arg14 : memref<!tpu.dma_semaphore, #tpu.memory_space<semaphore_mem>>) src(%dma_wait3A_35 : memref<80x128xf32, #tpu.memory_space<hbm>>) dst(%arg11 : memref<80x128xf32, #tpu.memory_space<vmem>>)
    %dma_start3A_36 = arith.constant 124 : i32
    %dma_start3A_37 = arith.constant 0 : i32
    %dma_start3A_38 = tpu.memref_slice %arg9[%dma_start3A_36, %dma_start3A_37] : memref<125x80xi32, #tpu.memory_space<vmem>> -> memref<1x80xi32, #tpu.memory_space<vmem>>
    %dma_start3A_39 = tpu.memref_squeeze %dma_start3A_38 : memref<1x80xi32, #tpu.memory_space<vmem>> -> memref<80xi32, #tpu.memory_space<vmem>>
    %dma_start3A_40 = arith.constant 0 : i32
    %dma_start3A_41 = arith.constant 0 : i32
    %dma_start3A_42 = tpu.memref_slice %arg8[%dma_start3A_40, %dma_start3A_41] : memref<10240x128xf32, #tpu.memory_space<vmem_shared>> -> memref<10240x128xf32, #tpu.memory_space<vmem_shared>>
    tpu.enqueue_indirect_dma source(%arg11 : memref<80x128xf32, #tpu.memory_space<vmem>>) target(%dma_start3A_42 : memref<10240x128xf32, #tpu.memory_space<vmem_shared>>) offsets(%dma_start3A_39 : memref<80xi32, #tpu.memory_space<vmem>>) semaphore(%arg17 : memref<!tpu.dma_semaphore, #tpu.memory_space<semaphore_mem>>) {add = true}
    %dma_wait3A_43 = arith.constant 0 : i32
    %dma_wait3A_44 = arith.constant 0 : i32
    %dma_wait3A_45 = tpu.memref_slice %arg9[%dma_wait3A_43, %dma_wait3A_44] : memref<125x80xi32, #tpu.memory_space<vmem>> -> memref<1x80xi32, #tpu.memory_space<vmem>>
    %dma_wait3A_46 = tpu.memref_squeeze %dma_wait3A_45 : memref<1x80xi32, #tpu.memory_space<vmem>> -> memref<80xi32, #tpu.memory_space<vmem>>
    %dma_wait3A_47 = arith.constant 0 : i32
    %dma_wait3A_48 = arith.constant 0 : i32
    %dma_wait3A_49 = tpu.memref_slice %arg8[%dma_wait3A_47, %dma_wait3A_48] : memref<10240x128xf32, #tpu.memory_space<vmem_shared>> -> memref<10240x128xf32, #tpu.memory_space<vmem_shared>>
    tpu.wait_indirect_dma semaphore(%arg16 : memref<!tpu.dma_semaphore, #tpu.memory_space<semaphore_mem>>) src(%arg10 : memref<80x128xf32, #tpu.memory_space<vmem>>) dst(%dma_wait3A_49 : memref<10240x128xf32, #tpu.memory_space<vmem_shared>>)
    %dma_wait3A_50 = arith.constant 0 : i32
    %dma_wait3A_51 = arith.constant 0 : i32
    %dma_wait3A_52 = tpu.memref_slice %arg9[%dma_wait3A_50, %dma_wait3A_51] : memref<125x80xi32, #tpu.memory_space<vmem>> -> memref<1x80xi32, #tpu.memory_space<vmem>>
    %dma_wait3A_53 = tpu.memref_squeeze %dma_wait3A_52 : memref<1x80xi32, #tpu.memory_space<vmem>> -> memref<80xi32, #tpu.memory_space<vmem>>
    %dma_wait3A_54 = arith.constant 0 : i32
    %dma_wait3A_55 = arith.constant 0 : i32
    %dma_wait3A_56 = tpu.memref_slice %arg8[%dma_wait3A_54, %dma_wait3A_55] : memref<10240x128xf32, #tpu.memory_space<vmem_shared>> -> memref<10240x128xf32, #tpu.memory_space<vmem_shared>>
    tpu.wait_indirect_dma semaphore(%arg17 : memref<!tpu.dma_semaphore, #tpu.memory_space<semaphore_mem>>) src(%arg11 : memref<80x128xf32, #tpu.memory_space<vmem>>) dst(%dma_wait3A_56 : memref<10240x128xf32, #tpu.memory_space<vmem_shared>>)
    %dma_wait3A_57 = arith.constant 0 : i32
    %dma_wait3A_58 = arith.constant 0 : i32
    %dma_wait3A_59 = tpu.memref_slice %arg9[%dma_wait3A_57, %dma_wait3A_58] : memref<125x80xi32, #tpu.memory_space<vmem>> -> memref<1x80xi32, #tpu.memory_space<vmem>>
    %dma_wait3A_60 = tpu.memref_squeeze %dma_wait3A_59 : memref<1x80xi32, #tpu.memory_space<vmem>> -> memref<80xi32, #tpu.memory_space<vmem>>
    %dma_wait3A_61 = arith.constant 0 : i32
    %dma_wait3A_62 = arith.constant 0 : i32
    %dma_wait3A_63 = tpu.memref_slice %arg8[%dma_wait3A_61, %dma_wait3A_62] : memref<10240x128xf32, #tpu.memory_space<vmem_shared>> -> memref<10240x128xf32, #tpu.memory_space<vmem_shared>>
    tpu.wait_indirect_dma semaphore(%arg18 : memref<!tpu.dma_semaphore, #tpu.memory_space<semaphore_mem>>) src(%arg12 : memref<80x128xf32, #tpu.memory_space<vmem>>) dst(%dma_wait3A_63 : memref<10240x128xf32, #tpu.memory_space<vmem_shared>>)
    %barrier3A_64 = arith.constant 0 : index
    tpu.barrier barrier_id(%barrier3A_64)
    %run_scoped3A = arith.constant 0 : i32
    "tpu.region"() ({
      %run_scoped3A_195 = tpu.sem_alloc : memref<!tpu.dma_semaphore, #tpu.memory_space<semaphore_mem>>
      %dma_start3A_196 = arith.constant 0 : i32
      %dma_start3A_197 = tpu.memref_slice %arg7[%run_scoped3A, %arg0, %mul3A_4, %dma_start3A_196] : memref<3x2x10240x128xf32, #tpu.memory_space<hbm>> -> memref<1x1x640x128xf32, #tpu.memory_space<hbm>>
      %dma_start3A_198 = tpu.memref_squeeze %dma_start3A_197 : memref<1x1x640x128xf32, #tpu.memory_space<hbm>> -> memref<640x128xf32, #tpu.memory_space<hbm>>
      %dma_start3A_199 = arith.constant 0 : i32
      %dma_start3A_200 = tpu.memref_slice %arg8[%mul3A_4, %dma_start3A_199] : memref<10240x128xf32, #tpu.memory_space<vmem_shared>> -> memref<640x128xf32, #tpu.memory_space<vmem_shared>>
      tpu.enqueue_dma source(%dma_start3A_200 : memref<640x128xf32, #tpu.memory_space<vmem_shared>>) target(%dma_start3A_198 : memref<640x128xf32, #tpu.memory_space<hbm>>) target_semaphore(%run_scoped3A_195 : memref<!tpu.dma_semaphore, #tpu.memory_space<semaphore_mem>>)
      %dma_wait3A_201 = arith.constant 0 : i32
      %dma_wait3A_202 = tpu.memref_slice %arg7[%run_scoped3A, %arg0, %mul3A_4, %dma_wait3A_201] : memref<3x2x10240x128xf32, #tpu.memory_space<hbm>> -> memref<1x1x640x128xf32, #tpu.memory_space<hbm>>
      %dma_wait3A_203 = tpu.memref_squeeze %dma_wait3A_202 : memref<1x1x640x128xf32, #tpu.memory_space<hbm>> -> memref<640x128xf32, #tpu.memory_space<hbm>>
      %dma_wait3A_204 = arith.constant 0 : i32
      %dma_wait3A_205 = tpu.memref_slice %arg8[%mul3A_4, %dma_wait3A_204] : memref<10240x128xf32, #tpu.memory_space<vmem_shared>> -> memref<640x128xf32, #tpu.memory_space<vmem_shared>>
      tpu.wait_dma2 semaphore(%run_scoped3A_195 : memref<!tpu.dma_semaphore, #tpu.memory_space<semaphore_mem>>) src(%dma_wait3A_205 : memref<640x128xf32, #tpu.memory_space<vmem_shared>>) dst(%dma_wait3A_203 : memref<640x128xf32, #tpu.memory_space<hbm>>)
      tpu.yield
    }) : () -> ()
    "tpu.region"() ({
      %run_scoped3A_195 = tpu.sem_alloc : memref<!tpu.dma_semaphore, #tpu.memory_space<semaphore_mem>>
      %dma_start3A_196 = arith.constant 0 : i32
      %dma_start3A_197 = tpu.memref_slice %arg8[%mul3A_4, %dma_start3A_196] : memref<10240x128xf32, #tpu.memory_space<vmem_shared>> -> memref<640x128xf32, #tpu.memory_space<vmem_shared>>
      %dma_start3A_198 = arith.constant 0 : i32
      %dma_start3A_199 = tpu.memref_slice %arg6[%mul3A_4, %dma_start3A_198] : memref<10240x128xf32, #tpu.memory_space<hbm>> -> memref<640x128xf32, #tpu.memory_space<hbm>>
      tpu.enqueue_dma source(%dma_start3A_199 : memref<640x128xf32, #tpu.memory_space<hbm>>) target(%dma_start3A_197 : memref<640x128xf32, #tpu.memory_space<vmem_shared>>) target_semaphore(%run_scoped3A_195 : memref<!tpu.dma_semaphore, #tpu.memory_space<semaphore_mem>>)
      %dma_wait3A_200 = arith.constant 0 : i32
      %dma_wait3A_201 = tpu.memref_slice %arg8[%mul3A_4, %dma_wait3A_200] : memref<10240x128xf32, #tpu.memory_space<vmem_shared>> -> memref<640x128xf32, #tpu.memory_space<vmem_shared>>
      %dma_wait3A_202 = arith.constant 0 : i32
      %dma_wait3A_203 = tpu.memref_slice %arg6[%mul3A_4, %dma_wait3A_202] : memref<10240x128xf32, #tpu.memory_space<hbm>> -> memref<640x128xf32, #tpu.memory_space<hbm>>
      tpu.wait_dma2 semaphore(%run_scoped3A_195 : memref<!tpu.dma_semaphore, #tpu.memory_space<semaphore_mem>>) src(%dma_wait3A_203 : memref<640x128xf32, #tpu.memory_space<hbm>>) dst(%dma_wait3A_201 : memref<640x128xf32, #tpu.memory_space<vmem_shared>>)
      tpu.yield
    }) : () -> ()
    %barrier3A_65 = arith.constant 0 : index
    tpu.barrier barrier_id(%barrier3A_65)
    %add3A_66 = arith.constant 0 : i32
    %add3A_67 = arith.addi %mul3A_2, %add3A_66 : i32
    %dma_start3A_68 = arith.constant 0 : i32
    %dma_start3A_69 = tpu.memref_slice %arg3[%add3A_67, %dma_start3A_68] : memref<320000x128xf32, #tpu.memory_space<hbm>> -> memref<80x128xf32, #tpu.memory_space<hbm>>
    %dma_start3A_70 = arith.constant 0 : i32
    %dma_start3A_71 = tpu.memref_slice %arg3[%add3A_67, %dma_start3A_70] : memref<320000x128xf32, #tpu.memory_space<hbm>> -> memref<80x128xf32, #tpu.memory_space<hbm>>
    tpu.enqueue_dma source(%dma_start3A_71 : memref<80x128xf32, #tpu.memory_space<hbm>>) target(%arg10 : memref<80x128xf32, #tpu.memory_space<vmem>>) target_semaphore(%arg13 : memref<!tpu.dma_semaphore, #tpu.memory_space<semaphore_mem>>)
    %add3A_72 = arith.constant 80 : i32
    %add3A_73 = arith.addi %mul3A_2, %add3A_72 : i32
    %dma_start3A_74 = arith.constant 0 : i32
    %dma_start3A_75 = tpu.memref_slice %arg3[%add3A_73, %dma_start3A_74] : memref<320000x128xf32, #tpu.memory_space<hbm>> -> memref<80x128xf32, #tpu.memory_space<hbm>>
    %dma_start3A_76 = arith.constant 0 : i32
    %dma_start3A_77 = tpu.memref_slice %arg3[%add3A_73, %dma_start3A_76] : memref<320000x128xf32, #tpu.memory_space<hbm>> -> memref<80x128xf32, #tpu.memory_space<hbm>>
    tpu.enqueue_dma source(%dma_start3A_77 : memref<80x128xf32, #tpu.memory_space<hbm>>) target(%arg11 : memref<80x128xf32, #tpu.memory_space<vmem>>) target_semaphore(%arg14 : memref<!tpu.dma_semaphore, #tpu.memory_space<semaphore_mem>>)
    %scan3A_78 = arith.constant 0 : i32
    %scan3A_79 = arith.constant 0 : i32
    %scan3A_80 = arith.constant 41 : i32
    %scan3A_81 = arith.addi %scan3A_79, %scan3A_80 : i32
    %scan3A_82 = arith.constant 1 : i32
    %scan3A_83 = scf.for %scan3A_195 = %scan3A_79 to %scan3A_81 step %scan3A_82 iter_args(%scan3A_196 = %scan3A_78) -> (i32)  : i32 {
      %mul3A_197 = arith.constant 3 : i32
      %mul3A_198 = arith.muli %mul3A_197, %scan3A_195 : i32
      %add3A_199 = arith.constant 0 : i32
      %add3A_200 = arith.addi %mul3A_198, %add3A_199 : i32
      %dma_wait3A_201 = arith.constant 0 : i32
      %dma_wait3A_202 = tpu.memref_slice %arg3[%mul3A_2, %dma_wait3A_201] : memref<320000x128xf32, #tpu.memory_space<hbm>> -> memref<80x128xf32, #tpu.memory_space<hbm>>
      %dma_wait3A_203 = arith.constant 0 : i32
      %dma_wait3A_204 = tpu.memref_slice %arg3[%mul3A_2, %dma_wait3A_203] : memref<320000x128xf32, #tpu.memory_space<hbm>> -> memref<80x128xf32, #tpu.memory_space<hbm>>
      tpu.wait_dma2 semaphore(%arg13 : memref<!tpu.dma_semaphore, #tpu.memory_space<semaphore_mem>>) src(%dma_wait3A_204 : memref<80x128xf32, #tpu.memory_space<hbm>>) dst(%arg10 : memref<80x128xf32, #tpu.memory_space<vmem>>)
      %dma_start3A_205 = arith.constant 0 : i32
      %dma_start3A_206 = tpu.memref_slice %arg9[%add3A_200, %dma_start3A_205] : memref<125x80xi32, #tpu.memory_space<vmem>> -> memref<1x80xi32, #tpu.memory_space<vmem>>
      %dma_start3A_207 = tpu.memref_squeeze %dma_start3A_206 : memref<1x80xi32, #tpu.memory_space<vmem>> -> memref<80xi32, #tpu.memory_space<vmem>>
      %dma_start3A_208 = arith.constant 0 : i32
      %dma_start3A_209 = arith.constant 0 : i32
      %dma_start3A_210 = tpu.memref_slice %arg8[%dma_start3A_208, %dma_start3A_209] : memref<10240x128xf32, #tpu.memory_space<vmem_shared>> -> memref<10240x128xf32, #tpu.memory_space<vmem_shared>>
      tpu.enqueue_indirect_dma source(%arg10 : memref<80x128xf32, #tpu.memory_space<vmem>>) target(%dma_start3A_210 : memref<10240x128xf32, #tpu.memory_space<vmem_shared>>) offsets(%dma_start3A_207 : memref<80xi32, #tpu.memory_space<vmem>>) semaphore(%arg16 : memref<!tpu.dma_semaphore, #tpu.memory_space<semaphore_mem>>) {add = true}
      %add3A_211 = arith.constant 2 : i32
      %add3A_212 = arith.addi %add3A_200, %add3A_211 : i32
      %gt3A = arith.constant 0 : i32
      %gt3A_213 = arith.cmpi sgt, %scan3A_195, %gt3A : i32
      %convert_element_type3A = arith.extui %gt3A_213 : i1 to i32
      %cond3A = arith.constant 0 : i32
      %cond3A_214 = arith.cmpi ne, %convert_element_type3A, %cond3A : i32
      scf.if %cond3A_214 {
        %dma_wait3A_280 = arith.constant 0 : i32
        %dma_wait3A_281 = arith.constant 0 : i32
        %dma_wait3A_282 = tpu.memref_slice %arg9[%dma_wait3A_280, %dma_wait3A_281] : memref<125x80xi32, #tpu.memory_space<vmem>> -> memref<1x80xi32, #tpu.memory_space<vmem>>
        %dma_wait3A_283 = tpu.memref_squeeze %dma_wait3A_282 : memref<1x80xi32, #tpu.memory_space<vmem>> -> memref<80xi32, #tpu.memory_space<vmem>>
        %dma_wait3A_284 = arith.constant 0 : i32
        %dma_wait3A_285 = arith.constant 0 : i32
        %dma_wait3A_286 = tpu.memref_slice %arg8[%dma_wait3A_284, %dma_wait3A_285] : memref<10240x128xf32, #tpu.memory_space<vmem_shared>> -> memref<10240x128xf32, #tpu.memory_space<vmem_shared>>
        tpu.wait_indirect_dma semaphore(%arg18 : memref<!tpu.dma_semaphore, #tpu.memory_space<semaphore_mem>>) src(%arg12 : memref<80x128xf32, #tpu.memory_space<vmem>>) dst(%dma_wait3A_286 : memref<10240x128xf32, #tpu.memory_space<vmem_shared>>)
        %mul3A_287 = arith.constant 80 : i32
        %mul3A_288 = arith.muli %add3A_212, %mul3A_287 : i32
        %add3A_289 = arith.addi %mul3A_2, %mul3A_288 : i32
        %dma_start3A_290 = arith.constant 0 : i32
        %dma_start3A_291 = tpu.memref_slice %arg3[%add3A_289, %dma_start3A_290] : memref<320000x128xf32, #tpu.memory_space<hbm>> -> memref<80x128xf32, #tpu.memory_space<hbm>>
        %dma_start3A_292 = arith.constant 0 : i32
        %dma_start3A_293 = tpu.memref_slice %arg3[%add3A_289, %dma_start3A_292] : memref<320000x128xf32, #tpu.memory_space<hbm>> -> memref<80x128xf32, #tpu.memory_space<hbm>>
        tpu.enqueue_dma source(%dma_start3A_293 : memref<80x128xf32, #tpu.memory_space<hbm>>) target(%arg12 : memref<80x128xf32, #tpu.memory_space<vmem>>) target_semaphore(%arg15 : memref<!tpu.dma_semaphore, #tpu.memory_space<semaphore_mem>>)
      } else {
      }
      %eq3A = arith.constant 0 : i32
      %eq3A_215 = arith.cmpi eq, %scan3A_195, %eq3A : i32
      %convert_element_type3A_216 = arith.extui %eq3A_215 : i1 to i32
      %cond3A_217 = arith.constant 0 : i32
      %cond3A_218 = arith.cmpi ne, %convert_element_type3A_216, %cond3A_217 : i32
      scf.if %cond3A_218 {
        %mul3A_280 = arith.constant 80 : i32
        %mul3A_281 = arith.muli %add3A_212, %mul3A_280 : i32
        %add3A_282 = arith.addi %mul3A_2, %mul3A_281 : i32
        %dma_start3A_283 = arith.constant 0 : i32
        %dma_start3A_284 = tpu.memref_slice %arg3[%add3A_282, %dma_start3A_283] : memref<320000x128xf32, #tpu.memory_space<hbm>> -> memref<80x128xf32, #tpu.memory_space<hbm>>
        %dma_start3A_285 = arith.constant 0 : i32
        %dma_start3A_286 = tpu.memref_slice %arg3[%add3A_282, %dma_start3A_285] : memref<320000x128xf32, #tpu.memory_space<hbm>> -> memref<80x128xf32, #tpu.memory_space<hbm>>
        tpu.enqueue_dma source(%dma_start3A_286 : memref<80x128xf32, #tpu.memory_space<hbm>>) target(%arg12 : memref<80x128xf32, #tpu.memory_space<vmem>>) target_semaphore(%arg15 : memref<!tpu.dma_semaphore, #tpu.memory_space<semaphore_mem>>)
      } else {
      }
      %mul3A_219 = arith.constant 3 : i32
      %mul3A_220 = arith.muli %mul3A_219, %scan3A_195 : i32
      %add3A_221 = arith.constant 1 : i32
      %add3A_222 = arith.addi %mul3A_220, %add3A_221 : i32
      %dma_wait3A_223 = arith.constant 0 : i32
      %dma_wait3A_224 = tpu.memref_slice %arg3[%mul3A_2, %dma_wait3A_223] : memref<320000x128xf32, #tpu.memory_space<hbm>> -> memref<80x128xf32, #tpu.memory_space<hbm>>
      %dma_wait3A_225 = arith.constant 0 : i32
      %dma_wait3A_226 = tpu.memref_slice %arg3[%mul3A_2, %dma_wait3A_225] : memref<320000x128xf32, #tpu.memory_space<hbm>> -> memref<80x128xf32, #tpu.memory_space<hbm>>
      tpu.wait_dma2 semaphore(%arg14 : memref<!tpu.dma_semaphore, #tpu.memory_space<semaphore_mem>>) src(%dma_wait3A_226 : memref<80x128xf32, #tpu.memory_space<hbm>>) dst(%arg11 : memref<80x128xf32, #tpu.memory_space<vmem>>)
      %dma_start3A_227 = arith.constant 0 : i32
      %dma_start3A_228 = tpu.memref_slice %arg9[%add3A_222, %dma_start3A_227] : memref<125x80xi32, #tpu.memory_space<vmem>> -> memref<1x80xi32, #tpu.memory_space<vmem>>
      %dma_start3A_229 = tpu.memref_squeeze %dma_start3A_228 : memref<1x80xi32, #tpu.memory_space<vmem>> -> memref<80xi32, #tpu.memory_space<vmem>>
      %dma_start3A_230 = arith.constant 0 : i32
      %dma_start3A_231 = arith.constant 0 : i32
      %dma_start3A_232 = tpu.memref_slice %arg8[%dma_start3A_230, %dma_start3A_231] : memref<10240x128xf32, #tpu.memory_space<vmem_shared>> -> memref<10240x128xf32, #tpu.memory_space<vmem_shared>>
      tpu.enqueue_indirect_dma source(%arg11 : memref<80x128xf32, #tpu.memory_space<vmem>>) target(%dma_start3A_232 : memref<10240x128xf32, #tpu.memory_space<vmem_shared>>) offsets(%dma_start3A_229 : memref<80xi32, #tpu.memory_space<vmem>>) semaphore(%arg17 : memref<!tpu.dma_semaphore, #tpu.memory_space<semaphore_mem>>) {add = true}
      %add3A_233 = arith.constant 2 : i32
      %add3A_234 = arith.addi %add3A_222, %add3A_233 : i32
      %dma_wait3A_235 = arith.constant 0 : i32
      %dma_wait3A_236 = arith.constant 0 : i32
      %dma_wait3A_237 = tpu.memref_slice %arg9[%dma_wait3A_235, %dma_wait3A_236] : memref<125x80xi32, #tpu.memory_space<vmem>> -> memref<1x80xi32, #tpu.memory_space<vmem>>
      %dma_wait3A_238 = tpu.memref_squeeze %dma_wait3A_237 : memref<1x80xi32, #tpu.memory_space<vmem>> -> memref<80xi32, #tpu.memory_space<vmem>>
      %dma_wait3A_239 = arith.constant 0 : i32
      %dma_wait3A_240 = arith.constant 0 : i32
      %dma_wait3A_241 = tpu.memref_slice %arg8[%dma_wait3A_239, %dma_wait3A_240] : memref<10240x128xf32, #tpu.memory_space<vmem_shared>> -> memref<10240x128xf32, #tpu.memory_space<vmem_shared>>
      tpu.wait_indirect_dma semaphore(%arg16 : memref<!tpu.dma_semaphore, #tpu.memory_space<semaphore_mem>>) src(%arg10 : memref<80x128xf32, #tpu.memory_space<vmem>>) dst(%dma_wait3A_241 : memref<10240x128xf32, #tpu.memory_space<vmem_shared>>)
      %mul3A_242 = arith.constant 80 : i32
      %mul3A_243 = arith.muli %add3A_234, %mul3A_242 : i32
      %add3A_244 = arith.addi %mul3A_2, %mul3A_243 : i32
      %dma_start3A_245 = arith.constant 0 : i32
      %dma_start3A_246 = tpu.memref_slice %arg3[%add3A_244, %dma_start3A_245] : memref<320000x128xf32, #tpu.memory_space<hbm>> -> memref<80x128xf32, #tpu.memory_space<hbm>>
      %dma_start3A_247 = arith.constant 0 : i32
      %dma_start3A_248 = tpu.memref_slice %arg3[%add3A_244, %dma_start3A_247] : memref<320000x128xf32, #tpu.memory_space<hbm>> -> memref<80x128xf32, #tpu.memory_space<hbm>>
      tpu.enqueue_dma source(%dma_start3A_248 : memref<80x128xf32, #tpu.memory_space<hbm>>) target(%arg10 : memref<80x128xf32, #tpu.memory_space<vmem>>) target_semaphore(%arg13 : memref<!tpu.dma_semaphore, #tpu.memory_space<semaphore_mem>>)
      %mul3A_249 = arith.constant 3 : i32
      %mul3A_250 = arith.muli %mul3A_249, %scan3A_195 : i32
      %add3A_251 = arith.constant 2 : i32
      %add3A_252 = arith.addi %mul3A_250, %add3A_251 : i32
      %dma_wait3A_253 = arith.constant 0 : i32
      %dma_wait3A_254 = tpu.memref_slice %arg3[%mul3A_2, %dma_wait3A_253] : memref<320000x128xf32, #tpu.memory_space<hbm>> -> memref<80x128xf32, #tpu.memory_space<hbm>>
      %dma_wait3A_255 = arith.constant 0 : i32
      %dma_wait3A_256 = tpu.memref_slice %arg3[%mul3A_2, %dma_wait3A_255] : memref<320000x128xf32, #tpu.memory_space<hbm>> -> memref<80x128xf32, #tpu.memory_space<hbm>>
      tpu.wait_dma2 semaphore(%arg15 : memref<!tpu.dma_semaphore, #tpu.memory_space<semaphore_mem>>) src(%dma_wait3A_256 : memref<80x128xf32, #tpu.memory_space<hbm>>) dst(%arg12 : memref<80x128xf32, #tpu.memory_space<vmem>>)
      %dma_start3A_257 = arith.constant 0 : i32
      %dma_start3A_258 = tpu.memref_slice %arg9[%add3A_252, %dma_start3A_257] : memref<125x80xi32, #tpu.memory_space<vmem>> -> memref<1x80xi32, #tpu.memory_space<vmem>>
      %dma_start3A_259 = tpu.memref_squeeze %dma_start3A_258 : memref<1x80xi32, #tpu.memory_space<vmem>> -> memref<80xi32, #tpu.memory_space<vmem>>
      %dma_start3A_260 = arith.constant 0 : i32
      %dma_start3A_261 = arith.constant 0 : i32
      %dma_start3A_262 = tpu.memref_slice %arg8[%dma_start3A_260, %dma_start3A_261] : memref<10240x128xf32, #tpu.memory_space<vmem_shared>> -> memref<10240x128xf32, #tpu.memory_space<vmem_shared>>
      tpu.enqueue_indirect_dma source(%arg12 : memref<80x128xf32, #tpu.memory_space<vmem>>) target(%dma_start3A_262 : memref<10240x128xf32, #tpu.memory_space<vmem_shared>>) offsets(%dma_start3A_259 : memref<80xi32, #tpu.memory_space<vmem>>) semaphore(%arg18 : memref<!tpu.dma_semaphore, #tpu.memory_space<semaphore_mem>>) {add = true}
      %add3A_263 = arith.constant 2 : i32
      %add3A_264 = arith.addi %add3A_252, %add3A_263 : i32
      %dma_wait3A_265 = arith.constant 0 : i32
      %dma_wait3A_266 = arith.constant 0 : i32
      %dma_wait3A_267 = tpu.memref_slice %arg9[%dma_wait3A_265, %dma_wait3A_266] : memref<125x80xi32, #tpu.memory_space<vmem>> -> memref<1x80xi32, #tpu.memory_space<vmem>>
      %dma_wait3A_268 = tpu.memref_squeeze %dma_wait3A_267 : memref<1x80xi32, #tpu.memory_space<vmem>> -> memref<80xi32, #tpu.memory_space<vmem>>
      %dma_wait3A_269 = arith.constant 0 : i32
      %dma_wait3A_270 = arith.constant 0 : i32
      %dma_wait3A_271 = tpu.memref_slice %arg8[%dma_wait3A_269, %dma_wait3A_270] : memref<10240x128xf32, #tpu.memory_space<vmem_shared>> -> memref<10240x128xf32, #tpu.memory_space<vmem_shared>>
      tpu.wait_indirect_dma semaphore(%arg17 : memref<!tpu.dma_semaphore, #tpu.memory_space<semaphore_mem>>) src(%arg11 : memref<80x128xf32, #tpu.memory_space<vmem>>) dst(%dma_wait3A_271 : memref<10240x128xf32, #tpu.memory_space<vmem_shared>>)
      %mul3A_272 = arith.constant 80 : i32
      %mul3A_273 = arith.muli %add3A_264, %mul3A_272 : i32
      %add3A_274 = arith.addi %mul3A_2, %mul3A_273 : i32
      %dma_start3A_275 = arith.constant 0 : i32
      %dma_start3A_276 = tpu.memref_slice %arg3[%add3A_274, %dma_start3A_275] : memref<320000x128xf32, #tpu.memory_space<hbm>> -> memref<80x128xf32, #tpu.memory_space<hbm>>
      %dma_start3A_277 = arith.constant 0 : i32
      %dma_start3A_278 = tpu.memref_slice %arg3[%add3A_274, %dma_start3A_277] : memref<320000x128xf32, #tpu.memory_space<hbm>> -> memref<80x128xf32, #tpu.memory_space<hbm>>
      tpu.enqueue_dma source(%dma_start3A_278 : memref<80x128xf32, #tpu.memory_space<hbm>>) target(%arg11 : memref<80x128xf32, #tpu.memory_space<vmem>>) target_semaphore(%arg14 : memref<!tpu.dma_semaphore, #tpu.memory_space<semaphore_mem>>)
      %scan3A_279 = arith.constant 0 : i32
      scf.yield %scan3A_279 : i32
    }
    %scan3A_84 = arith.constant 41 : i32
    %dma_wait3A_85 = arith.constant 0 : i32
    %dma_wait3A_86 = tpu.memref_slice %arg3[%mul3A_2, %dma_wait3A_85] : memref<320000x128xf32, #tpu.memory_space<hbm>> -> memref<80x128xf32, #tpu.memory_space<hbm>>
    %dma_wait3A_87 = arith.constant 0 : i32
    %dma_wait3A_88 = tpu.memref_slice %arg3[%mul3A_2, %dma_wait3A_87] : memref<320000x128xf32, #tpu.memory_space<hbm>> -> memref<80x128xf32, #tpu.memory_space<hbm>>
    tpu.wait_dma2 semaphore(%arg13 : memref<!tpu.dma_semaphore, #tpu.memory_space<semaphore_mem>>) src(%dma_wait3A_88 : memref<80x128xf32, #tpu.memory_space<hbm>>) dst(%arg10 : memref<80x128xf32, #tpu.memory_space<vmem>>)
    %dma_start3A_89 = arith.constant 123 : i32
    %dma_start3A_90 = arith.constant 0 : i32
    %dma_start3A_91 = tpu.memref_slice %arg9[%dma_start3A_89, %dma_start3A_90] : memref<125x80xi32, #tpu.memory_space<vmem>> -> memref<1x80xi32, #tpu.memory_space<vmem>>
    %dma_start3A_92 = tpu.memref_squeeze %dma_start3A_91 : memref<1x80xi32, #tpu.memory_space<vmem>> -> memref<80xi32, #tpu.memory_space<vmem>>
    %dma_start3A_93 = arith.constant 0 : i32
    %dma_start3A_94 = arith.constant 0 : i32
    %dma_start3A_95 = tpu.memref_slice %arg8[%dma_start3A_93, %dma_start3A_94] : memref<10240x128xf32, #tpu.memory_space<vmem_shared>> -> memref<10240x128xf32, #tpu.memory_space<vmem_shared>>
    tpu.enqueue_indirect_dma source(%arg10 : memref<80x128xf32, #tpu.memory_space<vmem>>) target(%dma_start3A_95 : memref<10240x128xf32, #tpu.memory_space<vmem_shared>>) offsets(%dma_start3A_92 : memref<80xi32, #tpu.memory_space<vmem>>) semaphore(%arg16 : memref<!tpu.dma_semaphore, #tpu.memory_space<semaphore_mem>>) {add = true}
    %dma_wait3A_96 = arith.constant 0 : i32
    %dma_wait3A_97 = tpu.memref_slice %arg3[%mul3A_2, %dma_wait3A_96] : memref<320000x128xf32, #tpu.memory_space<hbm>> -> memref<80x128xf32, #tpu.memory_space<hbm>>
    %dma_wait3A_98 = arith.constant 0 : i32
    %dma_wait3A_99 = tpu.memref_slice %arg3[%mul3A_2, %dma_wait3A_98] : memref<320000x128xf32, #tpu.memory_space<hbm>> -> memref<80x128xf32, #tpu.memory_space<hbm>>
    tpu.wait_dma2 semaphore(%arg14 : memref<!tpu.dma_semaphore, #tpu.memory_space<semaphore_mem>>) src(%dma_wait3A_99 : memref<80x128xf32, #tpu.memory_space<hbm>>) dst(%arg11 : memref<80x128xf32, #tpu.memory_space<vmem>>)
    %dma_start3A_100 = arith.constant 124 : i32
    %dma_start3A_101 = arith.constant 0 : i32
    %dma_start3A_102 = tpu.memref_slice %arg9[%dma_start3A_100, %dma_start3A_101] : memref<125x80xi32, #tpu.memory_space<vmem>> -> memref<1x80xi32, #tpu.memory_space<vmem>>
    %dma_start3A_103 = tpu.memref_squeeze %dma_start3A_102 : memref<1x80xi32, #tpu.memory_space<vmem>> -> memref<80xi32, #tpu.memory_space<vmem>>
    %dma_start3A_104 = arith.constant 0 : i32
    %dma_start3A_105 = arith.constant 0 : i32
    %dma_start3A_106 = tpu.memref_slice %arg8[%dma_start3A_104, %dma_start3A_105] : memref<10240x128xf32, #tpu.memory_space<vmem_shared>> -> memref<10240x128xf32, #tpu.memory_space<vmem_shared>>
    tpu.enqueue_indirect_dma source(%arg11 : memref<80x128xf32, #tpu.memory_space<vmem>>) target(%dma_start3A_106 : memref<10240x128xf32, #tpu.memory_space<vmem_shared>>) offsets(%dma_start3A_103 : memref<80xi32, #tpu.memory_space<vmem>>) semaphore(%arg17 : memref<!tpu.dma_semaphore, #tpu.memory_space<semaphore_mem>>) {add = true}
    %dma_wait3A_107 = arith.constant 0 : i32
    %dma_wait3A_108 = arith.constant 0 : i32
    %dma_wait3A_109 = tpu.memref_slice %arg9[%dma_wait3A_107, %dma_wait3A_108] : memref<125x80xi32, #tpu.memory_space<vmem>> -> memref<1x80xi32, #tpu.memory_space<vmem>>
    %dma_wait3A_110 = tpu.memref_squeeze %dma_wait3A_109 : memref<1x80xi32, #tpu.memory_space<vmem>> -> memref<80xi32, #tpu.memory_space<vmem>>
    %dma_wait3A_111 = arith.constant 0 : i32
    %dma_wait3A_112 = arith.constant 0 : i32
    %dma_wait3A_113 = tpu.memref_slice %arg8[%dma_wait3A_111, %dma_wait3A_112] : memref<10240x128xf32, #tpu.memory_space<vmem_shared>> -> memref<10240x128xf32, #tpu.memory_space<vmem_shared>>
    tpu.wait_indirect_dma semaphore(%arg16 : memref<!tpu.dma_semaphore, #tpu.memory_space<semaphore_mem>>) src(%arg10 : memref<80x128xf32, #tpu.memory_space<vmem>>) dst(%dma_wait3A_113 : memref<10240x128xf32, #tpu.memory_space<vmem_shared>>)
    %dma_wait3A_114 = arith.constant 0 : i32
    %dma_wait3A_115 = arith.constant 0 : i32
    %dma_wait3A_116 = tpu.memref_slice %arg9[%dma_wait3A_114, %dma_wait3A_115] : memref<125x80xi32, #tpu.memory_space<vmem>> -> memref<1x80xi32, #tpu.memory_space<vmem>>
    %dma_wait3A_117 = tpu.memref_squeeze %dma_wait3A_116 : memref<1x80xi32, #tpu.memory_space<vmem>> -> memref<80xi32, #tpu.memory_space<vmem>>
    %dma_wait3A_118 = arith.constant 0 : i32
    %dma_wait3A_119 = arith.constant 0 : i32
    %dma_wait3A_120 = tpu.memref_slice %arg8[%dma_wait3A_118, %dma_wait3A_119] : memref<10240x128xf32, #tpu.memory_space<vmem_shared>> -> memref<10240x128xf32, #tpu.memory_space<vmem_shared>>
    tpu.wait_indirect_dma semaphore(%arg17 : memref<!tpu.dma_semaphore, #tpu.memory_space<semaphore_mem>>) src(%arg11 : memref<80x128xf32, #tpu.memory_space<vmem>>) dst(%dma_wait3A_120 : memref<10240x128xf32, #tpu.memory_space<vmem_shared>>)
    %dma_wait3A_121 = arith.constant 0 : i32
    %dma_wait3A_122 = arith.constant 0 : i32
    %dma_wait3A_123 = tpu.memref_slice %arg9[%dma_wait3A_121, %dma_wait3A_122] : memref<125x80xi32, #tpu.memory_space<vmem>> -> memref<1x80xi32, #tpu.memory_space<vmem>>
    %dma_wait3A_124 = tpu.memref_squeeze %dma_wait3A_123 : memref<1x80xi32, #tpu.memory_space<vmem>> -> memref<80xi32, #tpu.memory_space<vmem>>
    %dma_wait3A_125 = arith.constant 0 : i32
    %dma_wait3A_126 = arith.constant 0 : i32
    %dma_wait3A_127 = tpu.memref_slice %arg8[%dma_wait3A_125, %dma_wait3A_126] : memref<10240x128xf32, #tpu.memory_space<vmem_shared>> -> memref<10240x128xf32, #tpu.memory_space<vmem_shared>>
    tpu.wait_indirect_dma semaphore(%arg18 : memref<!tpu.dma_semaphore, #tpu.memory_space<semaphore_mem>>) src(%arg12 : memref<80x128xf32, #tpu.memory_space<vmem>>) dst(%dma_wait3A_127 : memref<10240x128xf32, #tpu.memory_space<vmem_shared>>)
    %barrier3A_128 = arith.constant 0 : index
    tpu.barrier barrier_id(%barrier3A_128)
    %run_scoped3A_129 = arith.constant 1 : i32
    "tpu.region"() ({
      %run_scoped3A_195 = tpu.sem_alloc : memref<!tpu.dma_semaphore, #tpu.memory_space<semaphore_mem>>
      %dma_start3A_196 = arith.constant 0 : i32
      %dma_start3A_197 = tpu.memref_slice %arg7[%run_scoped3A_129, %arg0, %mul3A_4, %dma_start3A_196] : memref<3x2x10240x128xf32, #tpu.memory_space<hbm>> -> memref<1x1x640x128xf32, #tpu.memory_space<hbm>>
      %dma_start3A_198 = tpu.memref_squeeze %dma_start3A_197 : memref<1x1x640x128xf32, #tpu.memory_space<hbm>> -> memref<640x128xf32, #tpu.memory_space<hbm>>
      %dma_start3A_199 = arith.constant 0 : i32
      %dma_start3A_200 = tpu.memref_slice %arg8[%mul3A_4, %dma_start3A_199] : memref<10240x128xf32, #tpu.memory_space<vmem_shared>> -> memref<640x128xf32, #tpu.memory_space<vmem_shared>>
      tpu.enqueue_dma source(%dma_start3A_200 : memref<640x128xf32, #tpu.memory_space<vmem_shared>>) target(%dma_start3A_198 : memref<640x128xf32, #tpu.memory_space<hbm>>) target_semaphore(%run_scoped3A_195 : memref<!tpu.dma_semaphore, #tpu.memory_space<semaphore_mem>>)
      %dma_wait3A_201 = arith.constant 0 : i32
      %dma_wait3A_202 = tpu.memref_slice %arg7[%run_scoped3A_129, %arg0, %mul3A_4, %dma_wait3A_201] : memref<3x2x10240x128xf32, #tpu.memory_space<hbm>> -> memref<1x1x640x128xf32, #tpu.memory_space<hbm>>
      %dma_wait3A_203 = tpu.memref_squeeze %dma_wait3A_202 : memref<1x1x640x128xf32, #tpu.memory_space<hbm>> -> memref<640x128xf32, #tpu.memory_space<hbm>>
      %dma_wait3A_204 = arith.constant 0 : i32
      %dma_wait3A_205 = tpu.memref_slice %arg8[%mul3A_4, %dma_wait3A_204] : memref<10240x128xf32, #tpu.memory_space<vmem_shared>> -> memref<640x128xf32, #tpu.memory_space<vmem_shared>>
      tpu.wait_dma2 semaphore(%run_scoped3A_195 : memref<!tpu.dma_semaphore, #tpu.memory_space<semaphore_mem>>) src(%dma_wait3A_205 : memref<640x128xf32, #tpu.memory_space<vmem_shared>>) dst(%dma_wait3A_203 : memref<640x128xf32, #tpu.memory_space<hbm>>)
      tpu.yield
    }) : () -> ()
    "tpu.region"() ({
      %run_scoped3A_195 = tpu.sem_alloc : memref<!tpu.dma_semaphore, #tpu.memory_space<semaphore_mem>>
      %dma_start3A_196 = arith.constant 0 : i32
      %dma_start3A_197 = tpu.memref_slice %arg8[%mul3A_4, %dma_start3A_196] : memref<10240x128xf32, #tpu.memory_space<vmem_shared>> -> memref<640x128xf32, #tpu.memory_space<vmem_shared>>
      %dma_start3A_198 = arith.constant 0 : i32
      %dma_start3A_199 = tpu.memref_slice %arg6[%mul3A_4, %dma_start3A_198] : memref<10240x128xf32, #tpu.memory_space<hbm>> -> memref<640x128xf32, #tpu.memory_space<hbm>>
      tpu.enqueue_dma source(%dma_start3A_199 : memref<640x128xf32, #tpu.memory_space<hbm>>) target(%dma_start3A_197 : memref<640x128xf32, #tpu.memory_space<vmem_shared>>) target_semaphore(%run_scoped3A_195 : memref<!tpu.dma_semaphore, #tpu.memory_space<semaphore_mem>>)
      %dma_wait3A_200 = arith.constant 0 : i32
      %dma_wait3A_201 = tpu.memref_slice %arg8[%mul3A_4, %dma_wait3A_200] : memref<10240x128xf32, #tpu.memory_space<vmem_shared>> -> memref<640x128xf32, #tpu.memory_space<vmem_shared>>
      %dma_wait3A_202 = arith.constant 0 : i32
      %dma_wait3A_203 = tpu.memref_slice %arg6[%mul3A_4, %dma_wait3A_202] : memref<10240x128xf32, #tpu.memory_space<hbm>> -> memref<640x128xf32, #tpu.memory_space<hbm>>
      tpu.wait_dma2 semaphore(%run_scoped3A_195 : memref<!tpu.dma_semaphore, #tpu.memory_space<semaphore_mem>>) src(%dma_wait3A_203 : memref<640x128xf32, #tpu.memory_space<hbm>>) dst(%dma_wait3A_201 : memref<640x128xf32, #tpu.memory_space<vmem_shared>>)
      tpu.yield
    }) : () -> ()
    %barrier3A_130 = arith.constant 0 : index
    tpu.barrier barrier_id(%barrier3A_130)
    %add3A_131 = arith.constant 0 : i32
    %add3A_132 = arith.addi %mul3A_2, %add3A_131 : i32
    %dma_start3A_133 = arith.constant 0 : i32
    %dma_start3A_134 = tpu.memref_slice %arg4[%add3A_132, %dma_start3A_133] : memref<320000x128xf32, #tpu.memory_space<hbm>> -> memref<80x128xf32, #tpu.memory_space<hbm>>
    %dma_start3A_135 = arith.constant 0 : i32
    %dma_start3A_136 = tpu.memref_slice %arg4[%add3A_132, %dma_start3A_135] : memref<320000x128xf32, #tpu.memory_space<hbm>> -> memref<80x128xf32, #tpu.memory_space<hbm>>
    tpu.enqueue_dma source(%dma_start3A_136 : memref<80x128xf32, #tpu.memory_space<hbm>>) target(%arg10 : memref<80x128xf32, #tpu.memory_space<vmem>>) target_semaphore(%arg13 : memref<!tpu.dma_semaphore, #tpu.memory_space<semaphore_mem>>)
    %add3A_137 = arith.constant 80 : i32
    %add3A_138 = arith.addi %mul3A_2, %add3A_137 : i32
    %dma_start3A_139 = arith.constant 0 : i32
    %dma_start3A_140 = tpu.memref_slice %arg4[%add3A_138, %dma_start3A_139] : memref<320000x128xf32, #tpu.memory_space<hbm>> -> memref<80x128xf32, #tpu.memory_space<hbm>>
    %dma_start3A_141 = arith.constant 0 : i32
    %dma_start3A_142 = tpu.memref_slice %arg4[%add3A_138, %dma_start3A_141] : memref<320000x128xf32, #tpu.memory_space<hbm>> -> memref<80x128xf32, #tpu.memory_space<hbm>>
    tpu.enqueue_dma source(%dma_start3A_142 : memref<80x128xf32, #tpu.memory_space<hbm>>) target(%arg11 : memref<80x128xf32, #tpu.memory_space<vmem>>) target_semaphore(%arg14 : memref<!tpu.dma_semaphore, #tpu.memory_space<semaphore_mem>>)
    %scan3A_143 = arith.constant 0 : i32
    %scan3A_144 = arith.constant 0 : i32
    %scan3A_145 = arith.constant 41 : i32
    %scan3A_146 = arith.addi %scan3A_144, %scan3A_145 : i32
    %scan3A_147 = arith.constant 1 : i32
    %scan3A_148 = scf.for %scan3A_195 = %scan3A_144 to %scan3A_146 step %scan3A_147 iter_args(%scan3A_196 = %scan3A_143) -> (i32)  : i32 {
      %mul3A_197 = arith.constant 3 : i32
      %mul3A_198 = arith.muli %mul3A_197, %scan3A_195 : i32
      %add3A_199 = arith.constant 0 : i32
      %add3A_200 = arith.addi %mul3A_198, %add3A_199 : i32
      %dma_wait3A_201 = arith.constant 0 : i32
      %dma_wait3A_202 = tpu.memref_slice %arg4[%mul3A_2, %dma_wait3A_201] : memref<320000x128xf32, #tpu.memory_space<hbm>> -> memref<80x128xf32, #tpu.memory_space<hbm>>
      %dma_wait3A_203 = arith.constant 0 : i32
      %dma_wait3A_204 = tpu.memref_slice %arg4[%mul3A_2, %dma_wait3A_203] : memref<320000x128xf32, #tpu.memory_space<hbm>> -> memref<80x128xf32, #tpu.memory_space<hbm>>
      tpu.wait_dma2 semaphore(%arg13 : memref<!tpu.dma_semaphore, #tpu.memory_space<semaphore_mem>>) src(%dma_wait3A_204 : memref<80x128xf32, #tpu.memory_space<hbm>>) dst(%arg10 : memref<80x128xf32, #tpu.memory_space<vmem>>)
      %dma_start3A_205 = arith.constant 0 : i32
      %dma_start3A_206 = tpu.memref_slice %arg9[%add3A_200, %dma_start3A_205] : memref<125x80xi32, #tpu.memory_space<vmem>> -> memref<1x80xi32, #tpu.memory_space<vmem>>
      %dma_start3A_207 = tpu.memref_squeeze %dma_start3A_206 : memref<1x80xi32, #tpu.memory_space<vmem>> -> memref<80xi32, #tpu.memory_space<vmem>>
      %dma_start3A_208 = arith.constant 0 : i32
      %dma_start3A_209 = arith.constant 0 : i32
      %dma_start3A_210 = tpu.memref_slice %arg8[%dma_start3A_208, %dma_start3A_209] : memref<10240x128xf32, #tpu.memory_space<vmem_shared>> -> memref<10240x128xf32, #tpu.memory_space<vmem_shared>>
      tpu.enqueue_indirect_dma source(%arg10 : memref<80x128xf32, #tpu.memory_space<vmem>>) target(%dma_start3A_210 : memref<10240x128xf32, #tpu.memory_space<vmem_shared>>) offsets(%dma_start3A_207 : memref<80xi32, #tpu.memory_space<vmem>>) semaphore(%arg16 : memref<!tpu.dma_semaphore, #tpu.memory_space<semaphore_mem>>) {add = true}
      %add3A_211 = arith.constant 2 : i32
      %add3A_212 = arith.addi %add3A_200, %add3A_211 : i32
      %gt3A = arith.constant 0 : i32
      %gt3A_213 = arith.cmpi sgt, %scan3A_195, %gt3A : i32
      %convert_element_type3A = arith.extui %gt3A_213 : i1 to i32
      %cond3A = arith.constant 0 : i32
      %cond3A_214 = arith.cmpi ne, %convert_element_type3A, %cond3A : i32
      scf.if %cond3A_214 {
        %dma_wait3A_280 = arith.constant 0 : i32
        %dma_wait3A_281 = arith.constant 0 : i32
        %dma_wait3A_282 = tpu.memref_slice %arg9[%dma_wait3A_280, %dma_wait3A_281] : memref<125x80xi32, #tpu.memory_space<vmem>> -> memref<1x80xi32, #tpu.memory_space<vmem>>
        %dma_wait3A_283 = tpu.memref_squeeze %dma_wait3A_282 : memref<1x80xi32, #tpu.memory_space<vmem>> -> memref<80xi32, #tpu.memory_space<vmem>>
        %dma_wait3A_284 = arith.constant 0 : i32
        %dma_wait3A_285 = arith.constant 0 : i32
        %dma_wait3A_286 = tpu.memref_slice %arg8[%dma_wait3A_284, %dma_wait3A_285] : memref<10240x128xf32, #tpu.memory_space<vmem_shared>> -> memref<10240x128xf32, #tpu.memory_space<vmem_shared>>
        tpu.wait_indirect_dma semaphore(%arg18 : memref<!tpu.dma_semaphore, #tpu.memory_space<semaphore_mem>>) src(%arg12 : memref<80x128xf32, #tpu.memory_space<vmem>>) dst(%dma_wait3A_286 : memref<10240x128xf32, #tpu.memory_space<vmem_shared>>)
        %mul3A_287 = arith.constant 80 : i32
        %mul3A_288 = arith.muli %add3A_212, %mul3A_287 : i32
        %add3A_289 = arith.addi %mul3A_2, %mul3A_288 : i32
        %dma_start3A_290 = arith.constant 0 : i32
        %dma_start3A_291 = tpu.memref_slice %arg4[%add3A_289, %dma_start3A_290] : memref<320000x128xf32, #tpu.memory_space<hbm>> -> memref<80x128xf32, #tpu.memory_space<hbm>>
        %dma_start3A_292 = arith.constant 0 : i32
        %dma_start3A_293 = tpu.memref_slice %arg4[%add3A_289, %dma_start3A_292] : memref<320000x128xf32, #tpu.memory_space<hbm>> -> memref<80x128xf32, #tpu.memory_space<hbm>>
        tpu.enqueue_dma source(%dma_start3A_293 : memref<80x128xf32, #tpu.memory_space<hbm>>) target(%arg12 : memref<80x128xf32, #tpu.memory_space<vmem>>) target_semaphore(%arg15 : memref<!tpu.dma_semaphore, #tpu.memory_space<semaphore_mem>>)
      } else {
      }
      %eq3A = arith.constant 0 : i32
      %eq3A_215 = arith.cmpi eq, %scan3A_195, %eq3A : i32
      %convert_element_type3A_216 = arith.extui %eq3A_215 : i1 to i32
      %cond3A_217 = arith.constant 0 : i32
      %cond3A_218 = arith.cmpi ne, %convert_element_type3A_216, %cond3A_217 : i32
      scf.if %cond3A_218 {
        %mul3A_280 = arith.constant 80 : i32
        %mul3A_281 = arith.muli %add3A_212, %mul3A_280 : i32
        %add3A_282 = arith.addi %mul3A_2, %mul3A_281 : i32
        %dma_start3A_283 = arith.constant 0 : i32
        %dma_start3A_284 = tpu.memref_slice %arg4[%add3A_282, %dma_start3A_283] : memref<320000x128xf32, #tpu.memory_space<hbm>> -> memref<80x128xf32, #tpu.memory_space<hbm>>
        %dma_start3A_285 = arith.constant 0 : i32
        %dma_start3A_286 = tpu.memref_slice %arg4[%add3A_282, %dma_start3A_285] : memref<320000x128xf32, #tpu.memory_space<hbm>> -> memref<80x128xf32, #tpu.memory_space<hbm>>
        tpu.enqueue_dma source(%dma_start3A_286 : memref<80x128xf32, #tpu.memory_space<hbm>>) target(%arg12 : memref<80x128xf32, #tpu.memory_space<vmem>>) target_semaphore(%arg15 : memref<!tpu.dma_semaphore, #tpu.memory_space<semaphore_mem>>)
      } else {
      }
      %mul3A_219 = arith.constant 3 : i32
      %mul3A_220 = arith.muli %mul3A_219, %scan3A_195 : i32
      %add3A_221 = arith.constant 1 : i32
      %add3A_222 = arith.addi %mul3A_220, %add3A_221 : i32
      %dma_wait3A_223 = arith.constant 0 : i32
      %dma_wait3A_224 = tpu.memref_slice %arg4[%mul3A_2, %dma_wait3A_223] : memref<320000x128xf32, #tpu.memory_space<hbm>> -> memref<80x128xf32, #tpu.memory_space<hbm>>
      %dma_wait3A_225 = arith.constant 0 : i32
      %dma_wait3A_226 = tpu.memref_slice %arg4[%mul3A_2, %dma_wait3A_225] : memref<320000x128xf32, #tpu.memory_space<hbm>> -> memref<80x128xf32, #tpu.memory_space<hbm>>
      tpu.wait_dma2 semaphore(%arg14 : memref<!tpu.dma_semaphore, #tpu.memory_space<semaphore_mem>>) src(%dma_wait3A_226 : memref<80x128xf32, #tpu.memory_space<hbm>>) dst(%arg11 : memref<80x128xf32, #tpu.memory_space<vmem>>)
      %dma_start3A_227 = arith.constant 0 : i32
      %dma_start3A_228 = tpu.memref_slice %arg9[%add3A_222, %dma_start3A_227] : memref<125x80xi32, #tpu.memory_space<vmem>> -> memref<1x80xi32, #tpu.memory_space<vmem>>
      %dma_start3A_229 = tpu.memref_squeeze %dma_start3A_228 : memref<1x80xi32, #tpu.memory_space<vmem>> -> memref<80xi32, #tpu.memory_space<vmem>>
      %dma_start3A_230 = arith.constant 0 : i32
      %dma_start3A_231 = arith.constant 0 : i32
      %dma_start3A_232 = tpu.memref_slice %arg8[%dma_start3A_230, %dma_start3A_231] : memref<10240x128xf32, #tpu.memory_space<vmem_shared>> -> memref<10240x128xf32, #tpu.memory_space<vmem_shared>>
      tpu.enqueue_indirect_dma source(%arg11 : memref<80x128xf32, #tpu.memory_space<vmem>>) target(%dma_start3A_232 : memref<10240x128xf32, #tpu.memory_space<vmem_shared>>) offsets(%dma_start3A_229 : memref<80xi32, #tpu.memory_space<vmem>>) semaphore(%arg17 : memref<!tpu.dma_semaphore, #tpu.memory_space<semaphore_mem>>) {add = true}
      %add3A_233 = arith.constant 2 : i32
      %add3A_234 = arith.addi %add3A_222, %add3A_233 : i32
      %dma_wait3A_235 = arith.constant 0 : i32
      %dma_wait3A_236 = arith.constant 0 : i32
      %dma_wait3A_237 = tpu.memref_slice %arg9[%dma_wait3A_235, %dma_wait3A_236] : memref<125x80xi32, #tpu.memory_space<vmem>> -> memref<1x80xi32, #tpu.memory_space<vmem>>
      %dma_wait3A_238 = tpu.memref_squeeze %dma_wait3A_237 : memref<1x80xi32, #tpu.memory_space<vmem>> -> memref<80xi32, #tpu.memory_space<vmem>>
      %dma_wait3A_239 = arith.constant 0 : i32
      %dma_wait3A_240 = arith.constant 0 : i32
      %dma_wait3A_241 = tpu.memref_slice %arg8[%dma_wait3A_239, %dma_wait3A_240] : memref<10240x128xf32, #tpu.memory_space<vmem_shared>> -> memref<10240x128xf32, #tpu.memory_space<vmem_shared>>
      tpu.wait_indirect_dma semaphore(%arg16 : memref<!tpu.dma_semaphore, #tpu.memory_space<semaphore_mem>>) src(%arg10 : memref<80x128xf32, #tpu.memory_space<vmem>>) dst(%dma_wait3A_241 : memref<10240x128xf32, #tpu.memory_space<vmem_shared>>)
      %mul3A_242 = arith.constant 80 : i32
      %mul3A_243 = arith.muli %add3A_234, %mul3A_242 : i32
      %add3A_244 = arith.addi %mul3A_2, %mul3A_243 : i32
      %dma_start3A_245 = arith.constant 0 : i32
      %dma_start3A_246 = tpu.memref_slice %arg4[%add3A_244, %dma_start3A_245] : memref<320000x128xf32, #tpu.memory_space<hbm>> -> memref<80x128xf32, #tpu.memory_space<hbm>>
      %dma_start3A_247 = arith.constant 0 : i32
      %dma_start3A_248 = tpu.memref_slice %arg4[%add3A_244, %dma_start3A_247] : memref<320000x128xf32, #tpu.memory_space<hbm>> -> memref<80x128xf32, #tpu.memory_space<hbm>>
      tpu.enqueue_dma source(%dma_start3A_248 : memref<80x128xf32, #tpu.memory_space<hbm>>) target(%arg10 : memref<80x128xf32, #tpu.memory_space<vmem>>) target_semaphore(%arg13 : memref<!tpu.dma_semaphore, #tpu.memory_space<semaphore_mem>>)
      %mul3A_249 = arith.constant 3 : i32
      %mul3A_250 = arith.muli %mul3A_249, %scan3A_195 : i32
      %add3A_251 = arith.constant 2 : i32
      %add3A_252 = arith.addi %mul3A_250, %add3A_251 : i32
      %dma_wait3A_253 = arith.constant 0 : i32
      %dma_wait3A_254 = tpu.memref_slice %arg4[%mul3A_2, %dma_wait3A_253] : memref<320000x128xf32, #tpu.memory_space<hbm>> -> memref<80x128xf32, #tpu.memory_space<hbm>>
      %dma_wait3A_255 = arith.constant 0 : i32
      %dma_wait3A_256 = tpu.memref_slice %arg4[%mul3A_2, %dma_wait3A_255] : memref<320000x128xf32, #tpu.memory_space<hbm>> -> memref<80x128xf32, #tpu.memory_space<hbm>>
      tpu.wait_dma2 semaphore(%arg15 : memref<!tpu.dma_semaphore, #tpu.memory_space<semaphore_mem>>) src(%dma_wait3A_256 : memref<80x128xf32, #tpu.memory_space<hbm>>) dst(%arg12 : memref<80x128xf32, #tpu.memory_space<vmem>>)
      %dma_start3A_257 = arith.constant 0 : i32
      %dma_start3A_258 = tpu.memref_slice %arg9[%add3A_252, %dma_start3A_257] : memref<125x80xi32, #tpu.memory_space<vmem>> -> memref<1x80xi32, #tpu.memory_space<vmem>>
      %dma_start3A_259 = tpu.memref_squeeze %dma_start3A_258 : memref<1x80xi32, #tpu.memory_space<vmem>> -> memref<80xi32, #tpu.memory_space<vmem>>
      %dma_start3A_260 = arith.constant 0 : i32
      %dma_start3A_261 = arith.constant 0 : i32
      %dma_start3A_262 = tpu.memref_slice %arg8[%dma_start3A_260, %dma_start3A_261] : memref<10240x128xf32, #tpu.memory_space<vmem_shared>> -> memref<10240x128xf32, #tpu.memory_space<vmem_shared>>
      tpu.enqueue_indirect_dma source(%arg12 : memref<80x128xf32, #tpu.memory_space<vmem>>) target(%dma_start3A_262 : memref<10240x128xf32, #tpu.memory_space<vmem_shared>>) offsets(%dma_start3A_259 : memref<80xi32, #tpu.memory_space<vmem>>) semaphore(%arg18 : memref<!tpu.dma_semaphore, #tpu.memory_space<semaphore_mem>>) {add = true}
      %add3A_263 = arith.constant 2 : i32
      %add3A_264 = arith.addi %add3A_252, %add3A_263 : i32
      %dma_wait3A_265 = arith.constant 0 : i32
      %dma_wait3A_266 = arith.constant 0 : i32
      %dma_wait3A_267 = tpu.memref_slice %arg9[%dma_wait3A_265, %dma_wait3A_266] : memref<125x80xi32, #tpu.memory_space<vmem>> -> memref<1x80xi32, #tpu.memory_space<vmem>>
      %dma_wait3A_268 = tpu.memref_squeeze %dma_wait3A_267 : memref<1x80xi32, #tpu.memory_space<vmem>> -> memref<80xi32, #tpu.memory_space<vmem>>
      %dma_wait3A_269 = arith.constant 0 : i32
      %dma_wait3A_270 = arith.constant 0 : i32
      %dma_wait3A_271 = tpu.memref_slice %arg8[%dma_wait3A_269, %dma_wait3A_270] : memref<10240x128xf32, #tpu.memory_space<vmem_shared>> -> memref<10240x128xf32, #tpu.memory_space<vmem_shared>>
      tpu.wait_indirect_dma semaphore(%arg17 : memref<!tpu.dma_semaphore, #tpu.memory_space<semaphore_mem>>) src(%arg11 : memref<80x128xf32, #tpu.memory_space<vmem>>) dst(%dma_wait3A_271 : memref<10240x128xf32, #tpu.memory_space<vmem_shared>>)
      %mul3A_272 = arith.constant 80 : i32
      %mul3A_273 = arith.muli %add3A_264, %mul3A_272 : i32
      %add3A_274 = arith.addi %mul3A_2, %mul3A_273 : i32
      %dma_start3A_275 = arith.constant 0 : i32
      %dma_start3A_276 = tpu.memref_slice %arg4[%add3A_274, %dma_start3A_275] : memref<320000x128xf32, #tpu.memory_space<hbm>> -> memref<80x128xf32, #tpu.memory_space<hbm>>
      %dma_start3A_277 = arith.constant 0 : i32
      %dma_start3A_278 = tpu.memref_slice %arg4[%add3A_274, %dma_start3A_277] : memref<320000x128xf32, #tpu.memory_space<hbm>> -> memref<80x128xf32, #tpu.memory_space<hbm>>
      tpu.enqueue_dma source(%dma_start3A_278 : memref<80x128xf32, #tpu.memory_space<hbm>>) target(%arg11 : memref<80x128xf32, #tpu.memory_space<vmem>>) target_semaphore(%arg14 : memref<!tpu.dma_semaphore, #tpu.memory_space<semaphore_mem>>)
      %scan3A_279 = arith.constant 0 : i32
      scf.yield %scan3A_279 : i32
    }
    %scan3A_149 = arith.constant 41 : i32
    %dma_wait3A_150 = arith.constant 0 : i32
    %dma_wait3A_151 = tpu.memref_slice %arg4[%mul3A_2, %dma_wait3A_150] : memref<320000x128xf32, #tpu.memory_space<hbm>> -> memref<80x128xf32, #tpu.memory_space<hbm>>
    %dma_wait3A_152 = arith.constant 0 : i32
    %dma_wait3A_153 = tpu.memref_slice %arg4[%mul3A_2, %dma_wait3A_152] : memref<320000x128xf32, #tpu.memory_space<hbm>> -> memref<80x128xf32, #tpu.memory_space<hbm>>
    tpu.wait_dma2 semaphore(%arg13 : memref<!tpu.dma_semaphore, #tpu.memory_space<semaphore_mem>>) src(%dma_wait3A_153 : memref<80x128xf32, #tpu.memory_space<hbm>>) dst(%arg10 : memref<80x128xf32, #tpu.memory_space<vmem>>)
    %dma_start3A_154 = arith.constant 123 : i32
    %dma_start3A_155 = arith.constant 0 : i32
    %dma_start3A_156 = tpu.memref_slice %arg9[%dma_start3A_154, %dma_start3A_155] : memref<125x80xi32, #tpu.memory_space<vmem>> -> memref<1x80xi32, #tpu.memory_space<vmem>>
    %dma_start3A_157 = tpu.memref_squeeze %dma_start3A_156 : memref<1x80xi32, #tpu.memory_space<vmem>> -> memref<80xi32, #tpu.memory_space<vmem>>
    %dma_start3A_158 = arith.constant 0 : i32
    %dma_start3A_159 = arith.constant 0 : i32
    %dma_start3A_160 = tpu.memref_slice %arg8[%dma_start3A_158, %dma_start3A_159] : memref<10240x128xf32, #tpu.memory_space<vmem_shared>> -> memref<10240x128xf32, #tpu.memory_space<vmem_shared>>
    tpu.enqueue_indirect_dma source(%arg10 : memref<80x128xf32, #tpu.memory_space<vmem>>) target(%dma_start3A_160 : memref<10240x128xf32, #tpu.memory_space<vmem_shared>>) offsets(%dma_start3A_157 : memref<80xi32, #tpu.memory_space<vmem>>) semaphore(%arg16 : memref<!tpu.dma_semaphore, #tpu.memory_space<semaphore_mem>>) {add = true}
    %dma_wait3A_161 = arith.constant 0 : i32
    %dma_wait3A_162 = tpu.memref_slice %arg4[%mul3A_2, %dma_wait3A_161] : memref<320000x128xf32, #tpu.memory_space<hbm>> -> memref<80x128xf32, #tpu.memory_space<hbm>>
    %dma_wait3A_163 = arith.constant 0 : i32
    %dma_wait3A_164 = tpu.memref_slice %arg4[%mul3A_2, %dma_wait3A_163] : memref<320000x128xf32, #tpu.memory_space<hbm>> -> memref<80x128xf32, #tpu.memory_space<hbm>>
    tpu.wait_dma2 semaphore(%arg14 : memref<!tpu.dma_semaphore, #tpu.memory_space<semaphore_mem>>) src(%dma_wait3A_164 : memref<80x128xf32, #tpu.memory_space<hbm>>) dst(%arg11 : memref<80x128xf32, #tpu.memory_space<vmem>>)
    %dma_start3A_165 = arith.constant 124 : i32
    %dma_start3A_166 = arith.constant 0 : i32
    %dma_start3A_167 = tpu.memref_slice %arg9[%dma_start3A_165, %dma_start3A_166] : memref<125x80xi32, #tpu.memory_space<vmem>> -> memref<1x80xi32, #tpu.memory_space<vmem>>
    %dma_start3A_168 = tpu.memref_squeeze %dma_start3A_167 : memref<1x80xi32, #tpu.memory_space<vmem>> -> memref<80xi32, #tpu.memory_space<vmem>>
    %dma_start3A_169 = arith.constant 0 : i32
    %dma_start3A_170 = arith.constant 0 : i32
    %dma_start3A_171 = tpu.memref_slice %arg8[%dma_start3A_169, %dma_start3A_170] : memref<10240x128xf32, #tpu.memory_space<vmem_shared>> -> memref<10240x128xf32, #tpu.memory_space<vmem_shared>>
    tpu.enqueue_indirect_dma source(%arg11 : memref<80x128xf32, #tpu.memory_space<vmem>>) target(%dma_start3A_171 : memref<10240x128xf32, #tpu.memory_space<vmem_shared>>) offsets(%dma_start3A_168 : memref<80xi32, #tpu.memory_space<vmem>>) semaphore(%arg17 : memref<!tpu.dma_semaphore, #tpu.memory_space<semaphore_mem>>) {add = true}
    %dma_wait3A_172 = arith.constant 0 : i32
    %dma_wait3A_173 = arith.constant 0 : i32
    %dma_wait3A_174 = tpu.memref_slice %arg9[%dma_wait3A_172, %dma_wait3A_173] : memref<125x80xi32, #tpu.memory_space<vmem>> -> memref<1x80xi32, #tpu.memory_space<vmem>>
    %dma_wait3A_175 = tpu.memref_squeeze %dma_wait3A_174 : memref<1x80xi32, #tpu.memory_space<vmem>> -> memref<80xi32, #tpu.memory_space<vmem>>
    %dma_wait3A_176 = arith.constant 0 : i32
    %dma_wait3A_177 = arith.constant 0 : i32
    %dma_wait3A_178 = tpu.memref_slice %arg8[%dma_wait3A_176, %dma_wait3A_177] : memref<10240x128xf32, #tpu.memory_space<vmem_shared>> -> memref<10240x128xf32, #tpu.memory_space<vmem_shared>>
    tpu.wait_indirect_dma semaphore(%arg16 : memref<!tpu.dma_semaphore, #tpu.memory_space<semaphore_mem>>) src(%arg10 : memref<80x128xf32, #tpu.memory_space<vmem>>) dst(%dma_wait3A_178 : memref<10240x128xf32, #tpu.memory_space<vmem_shared>>)
    %dma_wait3A_179 = arith.constant 0 : i32
    %dma_wait3A_180 = arith.constant 0 : i32
    %dma_wait3A_181 = tpu.memref_slice %arg9[%dma_wait3A_179, %dma_wait3A_180] : memref<125x80xi32, #tpu.memory_space<vmem>> -> memref<1x80xi32, #tpu.memory_space<vmem>>
    %dma_wait3A_182 = tpu.memref_squeeze %dma_wait3A_181 : memref<1x80xi32, #tpu.memory_space<vmem>> -> memref<80xi32, #tpu.memory_space<vmem>>
    %dma_wait3A_183 = arith.constant 0 : i32
    %dma_wait3A_184 = arith.constant 0 : i32
    %dma_wait3A_185 = tpu.memref_slice %arg8[%dma_wait3A_183, %dma_wait3A_184] : memref<10240x128xf32, #tpu.memory_space<vmem_shared>> -> memref<10240x128xf32, #tpu.memory_space<vmem_shared>>
    tpu.wait_indirect_dma semaphore(%arg17 : memref<!tpu.dma_semaphore, #tpu.memory_space<semaphore_mem>>) src(%arg11 : memref<80x128xf32, #tpu.memory_space<vmem>>) dst(%dma_wait3A_185 : memref<10240x128xf32, #tpu.memory_space<vmem_shared>>)
    %dma_wait3A_186 = arith.constant 0 : i32
    %dma_wait3A_187 = arith.constant 0 : i32
    %dma_wait3A_188 = tpu.memref_slice %arg9[%dma_wait3A_186, %dma_wait3A_187] : memref<125x80xi32, #tpu.memory_space<vmem>> -> memref<1x80xi32, #tpu.memory_space<vmem>>
    %dma_wait3A_189 = tpu.memref_squeeze %dma_wait3A_188 : memref<1x80xi32, #tpu.memory_space<vmem>> -> memref<80xi32, #tpu.memory_space<vmem>>
    %dma_wait3A_190 = arith.constant 0 : i32
    %dma_wait3A_191 = arith.constant 0 : i32
    %dma_wait3A_192 = tpu.memref_slice %arg8[%dma_wait3A_190, %dma_wait3A_191] : memref<10240x128xf32, #tpu.memory_space<vmem_shared>> -> memref<10240x128xf32, #tpu.memory_space<vmem_shared>>
    tpu.wait_indirect_dma semaphore(%arg18 : memref<!tpu.dma_semaphore, #tpu.memory_space<semaphore_mem>>) src(%arg12 : memref<80x128xf32, #tpu.memory_space<vmem>>) dst(%dma_wait3A_192 : memref<10240x128xf32, #tpu.memory_space<vmem_shared>>)
    %barrier3A_193 = arith.constant 0 : index
    tpu.barrier barrier_id(%barrier3A_193)
    %run_scoped3A_194 = arith.constant 2 : i32
    "tpu.region"() ({
      %run_scoped3A_195 = tpu.sem_alloc : memref<!tpu.dma_semaphore, #tpu.memory_space<semaphore_mem>>
      %dma_start3A_196 = arith.constant 0 : i32
      %dma_start3A_197 = tpu.memref_slice %arg7[%run_scoped3A_194, %arg0, %mul3A_4, %dma_start3A_196] : memref<3x2x10240x128xf32, #tpu.memory_space<hbm>> -> memref<1x1x640x128xf32, #tpu.memory_space<hbm>>
      %dma_start3A_198 = tpu.memref_squeeze %dma_start3A_197 : memref<1x1x640x128xf32, #tpu.memory_space<hbm>> -> memref<640x128xf32, #tpu.memory_space<hbm>>
      %dma_start3A_199 = arith.constant 0 : i32
      %dma_start3A_200 = tpu.memref_slice %arg8[%mul3A_4, %dma_start3A_199] : memref<10240x128xf32, #tpu.memory_space<vmem_shared>> -> memref<640x128xf32, #tpu.memory_space<vmem_shared>>
      tpu.enqueue_dma source(%dma_start3A_200 : memref<640x128xf32, #tpu.memory_space<vmem_shared>>) target(%dma_start3A_198 : memref<640x128xf32, #tpu.memory_space<hbm>>) target_semaphore(%run_scoped3A_195 : memref<!tpu.dma_semaphore, #tpu.memory_space<semaphore_mem>>)
      %dma_wait3A_201 = arith.constant 0 : i32
      %dma_wait3A_202 = tpu.memref_slice %arg7[%run_scoped3A_194, %arg0, %mul3A_4, %dma_wait3A_201] : memref<3x2x10240x128xf32, #tpu.memory_space<hbm>> -> memref<1x1x640x128xf32, #tpu.memory_space<hbm>>
      %dma_wait3A_203 = tpu.memref_squeeze %dma_wait3A_202 : memref<1x1x640x128xf32, #tpu.memory_space<hbm>> -> memref<640x128xf32, #tpu.memory_space<hbm>>
      %dma_wait3A_204 = arith.constant 0 : i32
      %dma_wait3A_205 = tpu.memref_slice %arg8[%mul3A_4, %dma_wait3A_204] : memref<10240x128xf32, #tpu.memory_space<vmem_shared>> -> memref<640x128xf32, #tpu.memory_space<vmem_shared>>
      tpu.wait_dma2 semaphore(%run_scoped3A_195 : memref<!tpu.dma_semaphore, #tpu.memory_space<semaphore_mem>>) src(%dma_wait3A_205 : memref<640x128xf32, #tpu.memory_space<vmem_shared>>) dst(%dma_wait3A_203 : memref<640x128xf32, #tpu.memory_space<hbm>>)
      tpu.yield
    }) : () -> ()
    return
  }
}

module attributes {stable_mosaic.version = 14 : i64} {
  func.func @_msg_body(%arg0: i32, %arg1: memref<1x1x6400xi32, #tpu.memory_space<vmem>>, %arg2: memref<6400x128xf32, #tpu.memory_space<vmem>>, %arg3: memref<6400x128xf32, #tpu.memory_space<vmem>>, %arg4: memref<6400x128xf32, #tpu.memory_space<vmem>>, %arg5: memref<8x128xf32, #tpu.memory_space<vmem>>, %arg6: memref<1x128xf32, #tpu.memory_space<vmem>>, %arg7: memref<128x128xf32, #tpu.memory_space<vmem>>, %arg8: memref<1x128xf32, #tpu.memory_space<vmem>>, %arg9: memref<6400x128xf32, #tpu.memory_space<vmem>>) attributes {dimension_semantics = [#tpu.dimension_semantics<arbitrary>], iteration_bounds = array<i64: 50>, scalar_prefetch = 0 : i64, scratch_operands = 0 : i64, tpu.core_type = #tpu.core_type<tc>, window_params = [{transform_indices = @transform_0, window_bounds = array<i64: 1, 1, 6400>}, {transform_indices = @transform_1, window_bounds = array<i64: 6400, 128>}, {transform_indices = @transform_2, window_bounds = array<i64: 6400, 128>}, {transform_indices = @transform_3, window_bounds = array<i64: 6400, 128>}, {pipeline_mode = #tpu.pipeline_mode<synchronous>, transform_indices = @transform_4, window_bounds = array<i64: 8, 128>}, {pipeline_mode = #tpu.pipeline_mode<synchronous>, transform_indices = @transform_5, window_bounds = array<i64: 1, 128>}, {pipeline_mode = #tpu.pipeline_mode<synchronous>, transform_indices = @transform_6, window_bounds = array<i64: 128, 128>}, {pipeline_mode = #tpu.pipeline_mode<synchronous>, transform_indices = @transform_7, window_bounds = array<i64: 1, 128>}, {transform_indices = @transform_8, window_bounds = array<i64: 6400, 128>}]} {
    %get3A = arith.constant 0 : index
    %get3A_0 = arith.constant 0 : index
    %get3A_1 = arith.constant 0 : index
    %get3A_2 = vector.load %arg1[%get3A, %get3A_0, %get3A_1] : memref<1x1x6400xi32, #tpu.memory_space<vmem>>, vector<1x1x6400xi32>
    %get3A_3 = vector.shape_cast %get3A_2 : vector<1x1x6400xi32> to vector<6400xi32>
    %broadcast_in_dim3A = vector.shape_cast %get3A_3 : vector<6400xi32> to vector<6400x1xi32>
    %get3A_4 = arith.constant 0 : index
    %get3A_5 = arith.constant 0 : index
    %get3A_6 = vector.load %arg5[%get3A_4, %get3A_5] : memref<8x128xf32, #tpu.memory_space<vmem>>, vector<1x128xf32>
    %get3A_7 = arith.constant 1 : index
    %get3A_8 = arith.constant 0 : index
    %get3A_9 = vector.load %arg5[%get3A_7, %get3A_8] : memref<8x128xf32, #tpu.memory_space<vmem>>, vector<1x128xf32>
    %get3A_10 = arith.constant 2 : index
    %get3A_11 = arith.constant 0 : index
    %get3A_12 = vector.load %arg5[%get3A_10, %get3A_11] : memref<8x128xf32, #tpu.memory_space<vmem>>, vector<1x128xf32>
    %eq3A = arith.constant 0 : i32
    %eq3A_13 = vector.broadcast %eq3A : i32 to vector<6400x1xi32>
    %eq3A_14 = arith.cmpi eq, %broadcast_in_dim3A, %eq3A_13 : vector<6400x1xi32>
    %eq3A_15 = arith.constant 1 : i32
    %eq3A_16 = vector.broadcast %eq3A_15 : i32 to vector<6400x1xi32>
    %eq3A_17 = arith.cmpi eq, %broadcast_in_dim3A, %eq3A_16 : vector<6400x1xi32>
    %broadcast_in_dim3A_18 = vector.shape_cast %eq3A_17 : vector<6400x1xi1> to vector<6400x1xi1>
    %broadcast_in_dim3A_19 = vector.broadcast %broadcast_in_dim3A_18 : vector<6400x1xi1> to vector<6400x128xi1>
    %broadcast_in_dim3A_20 = vector.shape_cast %get3A_9 : vector<1x128xf32> to vector<1x128xf32>
    %broadcast_in_dim3A_21 = vector.broadcast %broadcast_in_dim3A_20 : vector<1x128xf32> to vector<6400x128xf32>
    %broadcast_in_dim3A_22 = vector.shape_cast %get3A_12 : vector<1x128xf32> to vector<1x128xf32>
    %broadcast_in_dim3A_23 = vector.broadcast %broadcast_in_dim3A_22 : vector<1x128xf32> to vector<6400x128xf32>
    %select_n3A = arith.select %broadcast_in_dim3A_19, %broadcast_in_dim3A_21, %broadcast_in_dim3A_23 : vector<6400x128xi1>, vector<6400x128xf32>
    %broadcast_in_dim3A_24 = vector.shape_cast %eq3A_14 : vector<6400x1xi1> to vector<6400x1xi1>
    %broadcast_in_dim3A_25 = vector.broadcast %broadcast_in_dim3A_24 : vector<6400x1xi1> to vector<6400x128xi1>
    %broadcast_in_dim3A_26 = vector.shape_cast %get3A_6 : vector<1x128xf32> to vector<1x128xf32>
    %broadcast_in_dim3A_27 = vector.broadcast %broadcast_in_dim3A_26 : vector<1x128xf32> to vector<6400x128xf32>
    %select_n3A_28 = arith.select %broadcast_in_dim3A_25, %broadcast_in_dim3A_27, %select_n3A : vector<6400x128xi1>, vector<6400x128xf32>
    %get3A_29 = arith.constant 0 : index
    %get3A_30 = arith.constant 0 : index
    %get3A_31 = vector.load %arg3[%get3A_29, %get3A_30] : memref<6400x128xf32, #tpu.memory_space<vmem>>, vector<6400x128xf32>
    %get3A_32 = arith.constant 0 : index
    %get3A_33 = arith.constant 0 : index
    %get3A_34 = vector.load %arg4[%get3A_32, %get3A_33] : memref<6400x128xf32, #tpu.memory_space<vmem>>, vector<6400x128xf32>
    %mul3A = arith.mulf %get3A_31, %get3A_34 : vector<6400x128xf32>
    %add3A = arith.addf %mul3A, %select_n3A_28 : vector<6400x128xf32>
    %get3A_35 = arith.constant 0 : index
    %get3A_36 = arith.constant 0 : index
    %get3A_37 = vector.load %arg6[%get3A_35, %get3A_36] : memref<1x128xf32, #tpu.memory_space<vmem>>, vector<1x128xf32>
    %add3A_38 = vector.broadcast %get3A_37 : vector<1x128xf32> to vector<6400x128xf32>
    %add3A_39 = arith.addf %add3A, %add3A_38 : vector<6400x128xf32>
    %convert_element_type3A = arith.truncf %add3A_39 : vector<6400x128xf32> to vector<6400x128xbf16>
    %get3A_40 = arith.constant 0 : index
    %get3A_41 = arith.constant 0 : index
    %get3A_42 = vector.load %arg7[%get3A_40, %get3A_41] : memref<128x128xf32, #tpu.memory_space<vmem>>, vector<128x128xf32>
    %convert_element_type3A_43 = arith.truncf %get3A_42 : vector<128x128xf32> to vector<128x128xbf16>
    %dot_general3A = arith.constant dense<0.000000e+00> : vector<6400x128xf32>
    %dot_general3A_44 = tpu.matmul %convert_element_type3A, %convert_element_type3A_43, %dot_general3A {dimension_numbers = #tpu.dot_dimension_numbers<[1], [0], [0], [1], [0, 0, 1, 1], [], []>, transpose_lhs_hint = false} : vector<6400x128xbf16>, vector<128x128xbf16>, vector<6400x128xf32> -> vector<6400x128xf32>
    %get3A_45 = arith.constant 0 : index
    %get3A_46 = arith.constant 0 : index
    %get3A_47 = vector.load %arg2[%get3A_45, %get3A_46] : memref<6400x128xf32, #tpu.memory_space<vmem>>, vector<6400x128xf32>
    %get3A_48 = arith.constant 0 : index
    %get3A_49 = arith.constant 0 : index
    %get3A_50 = vector.load %arg8[%get3A_48, %get3A_49] : memref<1x128xf32, #tpu.memory_space<vmem>>, vector<1x128xf32>
    %add3A_51 = vector.broadcast %get3A_50 : vector<1x128xf32> to vector<6400x128xf32>
    %add3A_52 = arith.addf %dot_general3A_44, %add3A_51 : vector<6400x128xf32>
    %mul3A_53 = arith.mulf %get3A_47, %add3A_52 : vector<6400x128xf32>
    %swap3A = arith.constant 0 : index
    %swap3A_54 = arith.constant 0 : index
    %swap3A_55 = vector.load %arg9[%swap3A, %swap3A_54] : memref<6400x128xf32, #tpu.memory_space<vmem>>, vector<6400x128xf32>
    tpu.vector_store %arg9[%swap3A, %swap3A_54], %mul3A_53 {strides = array<i32>} : memref<6400x128xf32, #tpu.memory_space<vmem>>, vector<6400x128xf32>,
    return
  }
  func.func @transform_0(%arg0: i32) -> (i32, i32, i32) {
    %c0_i32 = arith.constant 0 : i32
    %c0_i32_0 = arith.constant 0 : i32
    %c0_i32_1 = arith.constant 0 : i32
    return %arg0, %c0_i32, %c0_i32_0 : i32, i32, i32
  }
  func.func @transform_1(%arg0: i32) -> (i32, i32) {
    %c0_i32 = arith.constant 0 : i32
    %c0_i32_0 = arith.constant 0 : i32
    return %arg0, %c0_i32 : i32, i32
  }
  func.func @transform_2(%arg0: i32) -> (i32, i32) {
    %c0_i32 = arith.constant 0 : i32
    %c0_i32_0 = arith.constant 0 : i32
    return %arg0, %c0_i32 : i32, i32
  }
  func.func @transform_3(%arg0: i32) -> (i32, i32) {
    %c0_i32 = arith.constant 0 : i32
    %c0_i32_0 = arith.constant 0 : i32
    return %arg0, %c0_i32 : i32, i32
  }
  func.func @transform_4(%arg0: i32) -> (i32, i32) {
    %c0_i32 = arith.constant 0 : i32
    %c0_i32_0 = arith.constant 0 : i32
    %c0_i32_1 = arith.constant 0 : i32
    return %c0_i32, %c0_i32_0 : i32, i32
  }
  func.func @transform_5(%arg0: i32) -> (i32, i32) {
    %c0_i32 = arith.constant 0 : i32
    %c0_i32_0 = arith.constant 0 : i32
    %c0_i32_1 = arith.constant 0 : i32
    return %c0_i32, %c0_i32_0 : i32, i32
  }
  func.func @transform_6(%arg0: i32) -> (i32, i32) {
    %c0_i32 = arith.constant 0 : i32
    %c0_i32_0 = arith.constant 0 : i32
    %c0_i32_1 = arith.constant 0 : i32
    return %c0_i32, %c0_i32_0 : i32, i32
  }
  func.func @transform_7(%arg0: i32) -> (i32, i32) {
    %c0_i32 = arith.constant 0 : i32
    %c0_i32_0 = arith.constant 0 : i32
    %c0_i32_1 = arith.constant 0 : i32
    return %c0_i32, %c0_i32_0 : i32, i32
  }
  func.func @transform_8(%arg0: i32) -> (i32, i32) {
    %c0_i32 = arith.constant 0 : i32
    %c0_i32_0 = arith.constant 0 : i32
    return %arg0, %c0_i32 : i32, i32
  }
}

module attributes {stable_mosaic.version = 14 : i64} {
  func.func @_gates_body(%arg0: i32, %arg1: memref<3x2x1000x128xf32, #tpu.memory_space<vmem>>, %arg2: memref<256x128xf32, #tpu.memory_space<vmem>>, %arg3: memref<1x128xf32, #tpu.memory_space<vmem>>, %arg4: memref<256x128xf32, #tpu.memory_space<vmem>>, %arg5: memref<1x128xf32, #tpu.memory_space<vmem>>, %arg6: memref<256x128xf32, #tpu.memory_space<vmem>>, %arg7: memref<1x128xf32, #tpu.memory_space<vmem>>, %arg8: memref<256x128xf32, #tpu.memory_space<vmem>>, %arg9: memref<1x128xf32, #tpu.memory_space<vmem>>, %arg10: memref<1000x128xf32, #tpu.memory_space<vmem>>, %arg11: memref<1000x128xf32, #tpu.memory_space<vmem>>) attributes {dimension_semantics = [#tpu.dimension_semantics<arbitrary>], iteration_bounds = array<i64: 10>, scalar_prefetch = 0 : i64, scratch_operands = 0 : i64, tpu.core_type = #tpu.core_type<tc>, window_params = [{transform_indices = @transform_0, window_bounds = array<i64: 3, 2, 1000, 128>}, {pipeline_mode = #tpu.pipeline_mode<synchronous>, transform_indices = @transform_1, window_bounds = array<i64: 256, 128>}, {pipeline_mode = #tpu.pipeline_mode<synchronous>, transform_indices = @transform_2, window_bounds = array<i64: 1, 128>}, {pipeline_mode = #tpu.pipeline_mode<synchronous>, transform_indices = @transform_3, window_bounds = array<i64: 256, 128>}, {pipeline_mode = #tpu.pipeline_mode<synchronous>, transform_indices = @transform_4, window_bounds = array<i64: 1, 128>}, {pipeline_mode = #tpu.pipeline_mode<synchronous>, transform_indices = @transform_5, window_bounds = array<i64: 256, 128>}, {pipeline_mode = #tpu.pipeline_mode<synchronous>, transform_indices = @transform_6, window_bounds = array<i64: 1, 128>}, {pipeline_mode = #tpu.pipeline_mode<synchronous>, transform_indices = @transform_7, window_bounds = array<i64: 256, 128>}, {pipeline_mode = #tpu.pipeline_mode<synchronous>, transform_indices = @transform_8, window_bounds = array<i64: 1, 128>}, {transform_indices = @transform_9, window_bounds = array<i64: 1000, 128>}, {transform_indices = @transform_10, window_bounds = array<i64: 1000, 128>}]} {
    %get3A = arith.constant 0 : index
    %get3A_0 = arith.constant 0 : index
    %get3A_1 = arith.constant 0 : index
    %get3A_2 = arith.constant 0 : index
    %get3A_3 = vector.load %arg1[%get3A, %get3A_0, %get3A_1, %get3A_2] : memref<3x2x1000x128xf32, #tpu.memory_space<vmem>>, vector<1x1x1000x128xf32>
    %get3A_4 = vector.shape_cast %get3A_3 : vector<1x1x1000x128xf32> to vector<1000x128xf32>
    %get3A_5 = arith.constant 0 : index
    %get3A_6 = arith.constant 1 : index
    %get3A_7 = arith.constant 0 : index
    %get3A_8 = arith.constant 0 : index
    %get3A_9 = vector.load %arg1[%get3A_5, %get3A_6, %get3A_7, %get3A_8] : memref<3x2x1000x128xf32, #tpu.memory_space<vmem>>, vector<1x1x1000x128xf32>
    %get3A_10 = vector.shape_cast %get3A_9 : vector<1x1x1000x128xf32> to vector<1000x128xf32>
    %add3A = arith.addf %get3A_4, %get3A_10 : vector<1000x128xf32>
    %get3A_11 = arith.constant 1 : index
    %get3A_12 = arith.constant 0 : index
    %get3A_13 = arith.constant 0 : index
    %get3A_14 = arith.constant 0 : index
    %get3A_15 = vector.load %arg1[%get3A_11, %get3A_12, %get3A_13, %get3A_14] : memref<3x2x1000x128xf32, #tpu.memory_space<vmem>>, vector<1x1x1000x128xf32>
    %get3A_16 = vector.shape_cast %get3A_15 : vector<1x1x1000x128xf32> to vector<1000x128xf32>
    %get3A_17 = arith.constant 1 : index
    %get3A_18 = arith.constant 1 : index
    %get3A_19 = arith.constant 0 : index
    %get3A_20 = arith.constant 0 : index
    %get3A_21 = vector.load %arg1[%get3A_17, %get3A_18, %get3A_19, %get3A_20] : memref<3x2x1000x128xf32, #tpu.memory_space<vmem>>, vector<1x1x1000x128xf32>
    %get3A_22 = vector.shape_cast %get3A_21 : vector<1x1x1000x128xf32> to vector<1000x128xf32>
    %add3A_23 = arith.addf %get3A_16, %get3A_22 : vector<1000x128xf32>
    %get3A_24 = arith.constant 2 : index
    %get3A_25 = arith.constant 0 : index
    %get3A_26 = arith.constant 0 : index
    %get3A_27 = arith.constant 0 : index
    %get3A_28 = vector.load %arg1[%get3A_24, %get3A_25, %get3A_26, %get3A_27] : memref<3x2x1000x128xf32, #tpu.memory_space<vmem>>, vector<1x1x1000x128xf32>
    %get3A_29 = vector.shape_cast %get3A_28 : vector<1x1x1000x128xf32> to vector<1000x128xf32>
    %get3A_30 = arith.constant 2 : index
    %get3A_31 = arith.constant 1 : index
    %get3A_32 = arith.constant 0 : index
    %get3A_33 = arith.constant 0 : index
    %get3A_34 = vector.load %arg1[%get3A_30, %get3A_31, %get3A_32, %get3A_33] : memref<3x2x1000x128xf32, #tpu.memory_space<vmem>>, vector<1x1x1000x128xf32>
    %get3A_35 = vector.shape_cast %get3A_34 : vector<1x1x1000x128xf32> to vector<1000x128xf32>
    %add3A_36 = arith.addf %get3A_29, %get3A_35 : vector<1000x128xf32>
    %concatenate3A = tpu.concatenate %add3A, %add3A_23 in 1 : vector<1000x128xf32>, vector<1000x128xf32> -> vector<1000x256xf32>
    %get3A_37 = arith.constant 0 : index
    %get3A_38 = arith.constant 0 : index
    %get3A_39 = vector.load %arg2[%get3A_37, %get3A_38] : memref<256x128xf32, #tpu.memory_space<vmem>>, vector<256x128xf32>
    %dot_general3A = arith.constant dense<0.000000e+00> : vector<1000x128xf32>
    %dot_general3A_40 = tpu.matmul %concatenate3A, %get3A_39, %dot_general3A {dimension_numbers = #tpu.dot_dimension_numbers<[1], [0], [0], [1], [0, 0, 1, 1], [], []>, transpose_lhs_hint = false} : vector<1000x256xf32>, vector<256x128xf32>, vector<1000x128xf32> -> vector<1000x128xf32>
    %get3A_41 = arith.constant 0 : index
    %get3A_42 = arith.constant 0 : index
    %get3A_43 = vector.load %arg3[%get3A_41, %get3A_42] : memref<1x128xf32, #tpu.memory_space<vmem>>, vector<1x128xf32>
    %add3A_44 = vector.broadcast %get3A_43 : vector<1x128xf32> to vector<1000x128xf32>
    %add3A_45 = arith.addf %dot_general3A_40, %add3A_44 : vector<1000x128xf32>
    %logistic3A = arith.negf %add3A_45 : vector<1000x128xf32>
    %logistic3A_46 = math.exp %logistic3A : vector<1000x128xf32>
    %logistic3A_47 = arith.constant 1.000000e+00 : f32
    %logistic3A_48 = vector.broadcast %logistic3A_47 : f32 to vector<1000x128xf32>
    %logistic3A_49 = arith.addf %logistic3A_48, %logistic3A_46 : vector<1000x128xf32>
    %logistic3A_50 = arith.divf %logistic3A_48, %logistic3A_49 : vector<1000x128xf32>
    %get3A_51 = arith.constant 0 : index
    %get3A_52 = arith.constant 0 : index
    %get3A_53 = vector.load %arg4[%get3A_51, %get3A_52] : memref<256x128xf32, #tpu.memory_space<vmem>>, vector<256x128xf32>
    %dot_general3A_54 = arith.constant dense<0.000000e+00> : vector<1000x128xf32>
    %dot_general3A_55 = tpu.matmul %concatenate3A, %get3A_53, %dot_general3A_54 {dimension_numbers = #tpu.dot_dimension_numbers<[1], [0], [0], [1], [0, 0, 1, 1], [], []>, transpose_lhs_hint = false} : vector<1000x256xf32>, vector<256x128xf32>, vector<1000x128xf32> -> vector<1000x128xf32>
    %get3A_56 = arith.constant 0 : index
    %get3A_57 = arith.constant 0 : index
    %get3A_58 = vector.load %arg5[%get3A_56, %get3A_57] : memref<1x128xf32, #tpu.memory_space<vmem>>, vector<1x128xf32>
    %add3A_59 = vector.broadcast %get3A_58 : vector<1x128xf32> to vector<1000x128xf32>
    %add3A_60 = arith.addf %dot_general3A_55, %add3A_59 : vector<1000x128xf32>
    %logistic3A_61 = arith.negf %add3A_60 : vector<1000x128xf32>
    %logistic3A_62 = math.exp %logistic3A_61 : vector<1000x128xf32>
    %logistic3A_63 = arith.constant 1.000000e+00 : f32
    %logistic3A_64 = vector.broadcast %logistic3A_63 : f32 to vector<1000x128xf32>
    %logistic3A_65 = arith.addf %logistic3A_64, %logistic3A_62 : vector<1000x128xf32>
    %logistic3A_66 = arith.divf %logistic3A_64, %logistic3A_65 : vector<1000x128xf32>
    %get3A_67 = arith.constant 0 : index
    %get3A_68 = arith.constant 0 : index
    %get3A_69 = vector.load %arg6[%get3A_67, %get3A_68] : memref<256x128xf32, #tpu.memory_space<vmem>>, vector<256x128xf32>
    %dot_general3A_70 = arith.constant dense<0.000000e+00> : vector<1000x128xf32>
    %dot_general3A_71 = tpu.matmul %concatenate3A, %get3A_69, %dot_general3A_70 {dimension_numbers = #tpu.dot_dimension_numbers<[1], [0], [0], [1], [0, 0, 1, 1], [], []>, transpose_lhs_hint = false} : vector<1000x256xf32>, vector<256x128xf32>, vector<1000x128xf32> -> vector<1000x128xf32>
    %get3A_72 = arith.constant 0 : index
    %get3A_73 = arith.constant 0 : index
    %get3A_74 = vector.load %arg7[%get3A_72, %get3A_73] : memref<1x128xf32, #tpu.memory_space<vmem>>, vector<1x128xf32>
    %add3A_75 = vector.broadcast %get3A_74 : vector<1x128xf32> to vector<1000x128xf32>
    %add3A_76 = arith.addf %dot_general3A_71, %add3A_75 : vector<1000x128xf32>
    %tanh3A = math.tanh %add3A_76 : vector<1000x128xf32>
    %get3A_77 = arith.constant 0 : index
    %get3A_78 = arith.constant 0 : index
    %get3A_79 = vector.load %arg8[%get3A_77, %get3A_78] : memref<256x128xf32, #tpu.memory_space<vmem>>, vector<256x128xf32>
    %dot_general3A_80 = arith.constant dense<0.000000e+00> : vector<1000x128xf32>
    %dot_general3A_81 = tpu.matmul %concatenate3A, %get3A_79, %dot_general3A_80 {dimension_numbers = #tpu.dot_dimension_numbers<[1], [0], [0], [1], [0, 0, 1, 1], [], []>, transpose_lhs_hint = false} : vector<1000x256xf32>, vector<256x128xf32>, vector<1000x128xf32> -> vector<1000x128xf32>
    %get3A_82 = arith.constant 0 : index
    %get3A_83 = arith.constant 0 : index
    %get3A_84 = vector.load %arg9[%get3A_82, %get3A_83] : memref<1x128xf32, #tpu.memory_space<vmem>>, vector<1x128xf32>
    %add3A_85 = vector.broadcast %get3A_84 : vector<1x128xf32> to vector<1000x128xf32>
    %add3A_86 = arith.addf %dot_general3A_81, %add3A_85 : vector<1000x128xf32>
    %logistic3A_87 = arith.negf %add3A_86 : vector<1000x128xf32>
    %logistic3A_88 = math.exp %logistic3A_87 : vector<1000x128xf32>
    %logistic3A_89 = arith.constant 1.000000e+00 : f32
    %logistic3A_90 = vector.broadcast %logistic3A_89 : f32 to vector<1000x128xf32>
    %logistic3A_91 = arith.addf %logistic3A_90, %logistic3A_88 : vector<1000x128xf32>
    %logistic3A_92 = arith.divf %logistic3A_90, %logistic3A_91 : vector<1000x128xf32>
    %mul3A = arith.mulf %logistic3A_66, %tanh3A : vector<1000x128xf32>
    %mul3A_93 = arith.mulf %logistic3A_50, %add3A_36 : vector<1000x128xf32>
    %add3A_94 = arith.addf %mul3A, %mul3A_93 : vector<1000x128xf32>
    %swap3A = arith.constant 0 : index
    %swap3A_95 = arith.constant 0 : index
    %swap3A_96 = vector.load %arg11[%swap3A, %swap3A_95] : memref<1000x128xf32, #tpu.memory_space<vmem>>, vector<1000x128xf32>
    tpu.vector_store %arg11[%swap3A, %swap3A_95], %add3A_94 {strides = array<i32>} : memref<1000x128xf32, #tpu.memory_space<vmem>>, vector<1000x128xf32>,
    %tanh3A_97 = math.tanh %add3A_94 : vector<1000x128xf32>
    %mul3A_98 = arith.mulf %logistic3A_92, %tanh3A_97 : vector<1000x128xf32>
    %swap3A_99 = arith.constant 0 : index
    %swap3A_100 = arith.constant 0 : index
    %swap3A_101 = vector.load %arg10[%swap3A_99, %swap3A_100] : memref<1000x128xf32, #tpu.memory_space<vmem>>, vector<1000x128xf32>
    tpu.vector_store %arg10[%swap3A_99, %swap3A_100], %mul3A_98 {strides = array<i32>} : memref<1000x128xf32, #tpu.memory_space<vmem>>, vector<1000x128xf32>,
    return
  }
  func.func @transform_0(%arg0: i32) -> (i32, i32, i32, i32) {
    %c0_i32 = arith.constant 0 : i32
    %c0_i32_0 = arith.constant 0 : i32
    %c0_i32_1 = arith.constant 0 : i32
    %c0_i32_2 = arith.constant 0 : i32
    return %c0_i32, %c0_i32_0, %arg0, %c0_i32_1 : i32, i32, i32, i32
  }
  func.func @transform_1(%arg0: i32) -> (i32, i32) {
    %c0_i32 = arith.constant 0 : i32
    %c0_i32_0 = arith.constant 0 : i32
    %c0_i32_1 = arith.constant 0 : i32
    return %c0_i32, %c0_i32_0 : i32, i32
  }
  func.func @transform_2(%arg0: i32) -> (i32, i32) {
    %c0_i32 = arith.constant 0 : i32
    %c0_i32_0 = arith.constant 0 : i32
    %c0_i32_1 = arith.constant 0 : i32
    return %c0_i32, %c0_i32_0 : i32, i32
  }
  func.func @transform_3(%arg0: i32) -> (i32, i32) {
    %c0_i32 = arith.constant 0 : i32
    %c0_i32_0 = arith.constant 0 : i32
    %c0_i32_1 = arith.constant 0 : i32
    return %c0_i32, %c0_i32_0 : i32, i32
  }
  func.func @transform_4(%arg0: i32) -> (i32, i32) {
    %c0_i32 = arith.constant 0 : i32
    %c0_i32_0 = arith.constant 0 : i32
    %c0_i32_1 = arith.constant 0 : i32
    return %c0_i32, %c0_i32_0 : i32, i32
  }
  func.func @transform_5(%arg0: i32) -> (i32, i32) {
    %c0_i32 = arith.constant 0 : i32
    %c0_i32_0 = arith.constant 0 : i32
    %c0_i32_1 = arith.constant 0 : i32
    return %c0_i32, %c0_i32_0 : i32, i32
  }
  func.func @transform_6(%arg0: i32) -> (i32, i32) {
    %c0_i32 = arith.constant 0 : i32
    %c0_i32_0 = arith.constant 0 : i32
    %c0_i32_1 = arith.constant 0 : i32
    return %c0_i32, %c0_i32_0 : i32, i32
  }
  func.func @transform_7(%arg0: i32) -> (i32, i32) {
    %c0_i32 = arith.constant 0 : i32
    %c0_i32_0 = arith.constant 0 : i32
    %c0_i32_1 = arith.constant 0 : i32
    return %c0_i32, %c0_i32_0 : i32, i32
  }
  func.func @transform_8(%arg0: i32) -> (i32, i32) {
    %c0_i32 = arith.constant 0 : i32
    %c0_i32_0 = arith.constant 0 : i32
    %c0_i32_1 = arith.constant 0 : i32
    return %c0_i32, %c0_i32_0 : i32, i32
  }
  func.func @transform_9(%arg0: i32) -> (i32, i32) {
    %c0_i32 = arith.constant 0 : i32
    %c0_i32_0 = arith.constant 0 : i32
    return %arg0, %c0_i32 : i32, i32
  }
  func.func @transform_10(%arg0: i32) -> (i32, i32) {
    %c0_i32 = arith.constant 0 : i32
    %c0_i32_0 = arith.constant 0 : i32
    return %arg0, %c0_i32 : i32, i32
  }
}

</mosaic_0001>

<sc_bundles>
// kernel: kernel.5.cloned.1.call-start
scs
__scs_entry_jumppad:
0x0: {  	(pc) =	sbr.rel $0x88, $3  }
0x1: {  	(tag) =	ssettag $0x0;
	lr =	simm.s32 $0x1  }
0x2: {  	[smem:$0x3F8A] =	sst lr;
	_ =	strace $0xD0000000  }
0x3: {  	_ = 	snop  }
0x4: {  	_ = 	snop  }
0x5: {  	_ = 	snop  }
0x6: {  	_ = 	snop  }
0x7: {  	_ = 	snop  }
__scs_overlays_trampoline_lowered:
0x8: {  	[smem:$0x3F99] =	sst s0  }
0x9: {  	[smem:$0x3F9A] =	sst s1  }
0xa: {  	[smem:$0x3F9B] =	sst s2  }
0xb: {  	[smem:$0x3F9C] =	sst s3  }
0xc: {  	[smem:$0x3F9D] =	sst s4  }
0xd: {  	[smem:$0x3F9E] =	sst s5  }
0xe: {  	[smem:$0x3F9F] =	sst s6  }
0xf: {  	[smem:$0x3FA0] =	sst s7  }
0x10: {  	[smem:$0x3FA1] =	sst s8  }
0x11: {  	[smem:$0x3FA2] =	sst s9;
	s0 =	simm.s32 @!p0 $0x0  }
0x12: {  	s1 =	sld [smem:$0x3F88];
	s0 =	simm.s32 @p0 $0x1  }
0x13: {  	[smem:$0x3FA3] =	sst s0;
	s0 =	simm.s32 @!p1 $0x0  }
0x14: {  	s2 =	sld [smem:$0x3F87];
	s0 =	simm.s32 @p1 $0x1  }
0x15: {  	[smem:$0x3FA4] =	sst s0;
	s0 =	simm.s32 @!p2 $0x0  }
0x16: {  	s3 =	sld [smem:$0x3FDB];
	s0 =	simm.s32 @p2 $0x1  }
0x17: {  	s4 =	simm.s32 $0x1BF5;
	[smem:$0x3FA6] =	sst s0  }
0x18: {  	s0 =	sld [smem:$0x3F89];
	_ =	swait.ge [sflag:s4], $0x0  }
0x19: {  	s7 =	sld [smem:$0x3F8A]  }
0x1a: {  	s8 =	sadd.s32 $0xFFFFE003, lr  }
0x1b: {  	s9 =	sadd.s32 $0xFFFFFEF7, lr;
	s5 =	simm.s32 $0xFFFFFFFF;
	p2 =	slt.u32 s8, $0xFFFFF086  }
0x1c: {  	p1 =	slt.u32 s9, $0xF7A;
	s5 =	simm.s32 @!p2 $0x0  }
0x1d: {  	s5 =	simm.s32 @p1 $0x1;
	p0 =	seq.s32 s7, s2  }
0x1e: {  	s7 =	smul.u32 @!p0 $0xF7A, s2;
	p2 =	seq.s32 @!p0 s5, $0x0  }
0x1f: {  	s9 =	smul.u32 $0xF7A, s1;
	s8 =	simm.s32 @!p0 $0x1BF5;
	p2 =	por !p2, p0  }
0x20: {  	[sflag:s8] =	ssyncset.s32 @!p0 $0xFFFFF086;
	s6 =	sadd.s32 @!p0 s3, s7;
	s7 =	simm.s32 @!p0 $0x108  }
0x21: {  	s3 =	sadd.s32 s3, s9;
	s6 =	sadd.s32 @!p0 $0x88, s6;
	s7 =	simm.s32 @p2 $0x1082  }
0x22: {  	[simem:s7], [sflag:s8] =	dma.local @!p0 [hbm:s6], $0xF7A  }
0x23: {  	s9 =	sor.u32 $0xD0000000, s2;
	s6 =	simm.s32 $0x108;
	_ =	swait.ge @!p0 [sflag:s8], $0x0  }
0x24: {  	s3 =	sadd.s32 $0x88, s3;
	s6 =	simm.s32 @!p1 $0x1082;
	[sflag:s4] =	ssyncset.s32 $0xFFFFF086  }
0x25: {  	[simem:s6], [sflag:s4] =	dma.local [hbm:s3], $0xF7A  }
0x26: {  	[smem:$0x3F8A] =	sst s1;
	(tag) =	ssettag s2;
	_ =	strace s9  }
0x27: {  	s1 =	sld [smem:$0x3F9A]  }
0x28: {  	s2 =	sld [smem:$0x3F9B]  }
0x29: {  	s4 =	sld [smem:$0x3F9D]  }
0x2a: {  	p0 =	seq.s32 s5, $0x0;
	s5 =	sld [smem:$0x3F9E]  }
0x2b: {  	s6 =	sld [smem:$0x3F9F]  }
0x2c: {  	s7 =	sld [smem:$0x3FA0]  }
0x2d: {  	s3 =	simm.s32 $0x108;
	s8 =	sld [smem:$0x3FA1]  }
0x2e: {  	s3 =	simm.s32 @!p0 $0x1082;
	s9 =	sld [smem:$0x3FA2]  }
0x2f: {  	lr =	sadd.s32 s0, s3;
	s0 =	sld [smem:$0x3F99]  }
0x30: {  	s3 =	sld [smem:$0x3F9C]  }
0x31: {  	[smem:$0x3FA5] =	sst s10  }
0x32: {  	s10 =	sld [smem:$0x3FA3];
	_ =	sdelay $0x3  }
0x33: {  	p0 =	seq.s32 s10, $0x1;
	s10 =	sld [smem:$0x3FA5];
	_ =	sdelay $0x3  }
0x34: {  	[smem:$0x3FA5] =	sst s10  }
0x35: {  	s10 =	sld [smem:$0x3FA4];
	_ =	sdelay $0x3  }
0x36: {  	p1 =	seq.s32 s10, $0x1;
	s10 =	sld [smem:$0x3FA5];
	_ =	sdelay $0x3  }
0x37: {  	[smem:$0x3FA5] =	sst s10  }
0x38: {  	s10 =	sld [smem:$0x3FA6]  }
0x39: {  	_ = 	snop;
	(pc) =	sbr.ind lr, $3  }
0x3a: {  	_ = 	snop  }
0x3b: {  	_ = 	snop  }
0x3c: {  	p2 =	seq.s32 s10, $0x1;
	s10 =	sld [smem:$0x3FA5]  }
0x3d: {  	_ =	shalt  }
0x3e: {  	_ =	shalt  }
0x3f: {  	_ =	shalt  }
0x40: {  	_ =	shalt  }
0x41: {  	_ =	shalt  }
0x42: {  	_ =	shalt  }
0x43: {  	_ =	shalt  }
0x44: {  	_ =	shalt  }
0x45: {  	_ =	shalt  }
0x46: {  	_ =	shalt  }
0x47: {  	_ =	shalt  }
0x48: {  	_ =	shalt  }
0x49: {  	_ =	shalt  }
0x4a: {  	_ =	shalt  }
0x4b: {  	_ =	shalt  }
0x4c: {  	_ =	shalt  }
0x4d: {  	_ =	shalt  }
0x4e: {  	_ =	shalt  }
0x4f: {  	_ =	shalt  }
0x50: {  	_ =	shalt  }
0x51: {  	_ =	shalt  }
0x52: {  	_ =	shalt  }
0x53: {  	_ =	shalt  }
0x54: {  	_ =	shalt  }
0x55: {  	_ =	shalt  }
0x56: {  	_ =	shalt  }
0x57: {  	_ =	shalt  }
0x58: {  	_ =	shalt  }
0x59: {  	_ =	shalt  }
0x5a: {  	_ =	shalt  }
0x5b: {  	_ =	shalt  }
0x5c: {  	_ =	shalt  }
0x5d: {  	_ =	shalt  }
0x5e: {  	_ =	shalt  }
0x5f: {  	_ =	shalt  }
0x60: {  	_ =	shalt  }
0x61: {  	_ =	shalt  }
0x62: {  	_ =	shalt  }
0x63: {  	_ =	shalt  }
0x64: {  	_ =	shalt  }
0x65: {  	_ =	shalt  }
0x66: {  	_ =	shalt  }
0x67: {  	_ =	shalt  }
0x68: {  	_ =	shalt  }
0x69: {  	_ =	shalt  }
0x6a: {  	_ =	shalt  }
0x6b: {  	_ =	shalt  }
0x6c: {  	_ =	shalt  }
0x6d: {  	_ =	shalt  }
0x6e: {  	_ =	shalt  }
0x6f: {  	_ =	shalt  }
0x70: {  	_ =	shalt  }
0x71: {  	_ =	shalt  }
0x72: {  	_ =	shalt  }
0x73: {  	_ =	shalt  }
0x74: {  	_ =	shalt  }
0x75: {  	_ =	shalt  }
0x76: {  	_ =	shalt  }
0x77: {  	_ =	shalt  }
0x78: {  	_ =	shalt  }
0x79: {  	_ =	shalt  }
0x7a: {  	_ =	shalt  }
0x7b: {  	_ =	shalt  }
0x7c: {  	_ =	shalt  }
0x7d: {  	_ =	shalt  }
0x7e: {  	_ =	shalt  }
0x7f: {  	_ =	shalt  }
0x80: {  	_ =	shalt  }
0x81: {  	_ =	shalt  }
0x82: {  	_ =	shalt  }
0x83: {  	_ =	shalt  }
0x84: {  	_ =	shalt  }
0x85: {  	_ =	shalt  }
0x86: {  	_ =	shalt  }
0x87: {  	_ =	shalt  }
.Lfunc_end0:
.L_simem_size_0:
called_computation_lowered:
.L_overlay_start_0:
0x88: {  	s2 =	sld [smem:$0x3FD9]  }
0x89: {  	s3 =	sld [smem:$0x3FFE];
	_ =	sdelay $0x1  }
0x8a: {  	s1 =	srdreg.scid  }
0x8b: {  	s0 =	sand.u32 $0x1, s1  }
0x8c: {  	s14 =	sshll.u32 s0, $0xA;
	s2 =	sadd.s32 s3, s2  }
0x8d: {  	s2 =	sadd.s32 s2, s14  }
0x8e: {  	[smem:$0x3FB1] =	sst s2  }
0x8f: {  	_ = 	snop  }
0x90: {  	s2 =	sld [smem:$0x3FD0];
	_ =	sdelay $0x1  }
0x91: {  	s15 =	sld [smem:$0x3FC8]  }
0x92: {  	s5 =	simm.s32 $0xA;
	s6 =	simm.s32 $0x10;
	s4 =	sld [smem:$0x3FC7]  }
0x93: {  	[smem:s6], [sflag:s5] =	dma.local [hbm:s2], $0x1  }
0x94: {  	_ =	swait.eq [sflag:s5], $0x1  }
0x95: {  	[sflag:s5] =	ssyncset.done $0x0  }
0x96: {  	[sflag:s5] =	ssyncadd.s32 $0xFFFFFFFF  }
0x97: {  	s16 =	sld [smem:$0x11];
	(tm) =	ssettm $0x1  }
0x98: {  	s17 =	sld [smem:$0x3FFB];
	_ =	sdelay $0x3  }
0x99: {  	_ =	strace s17  }
0x9a: {  	s5 =	sld [smem:$0x3FFC];
	_ =	sdelay $0x3  }
0x9b: {  	_ =	strace s5  }
0x9c: {  	s5 =	sld [smem:$0x3FFD];
	_ =	sdelay $0x3  }
0x9d: {  	_ =	strace s5  }
0x9e: {  	_ =	strace $0x8FFFFFFF  }
0x9f: {  	s18 =	sld [smem:$0x3FDB];
	_ =	sdelay $0x1  }
0xa0: {  	s19 =	simm.s32 $_scs_section_size  }
0xa1: {  	s7 =	simm.s32 $_size__tile_overlayer_lowered;
	s8 =	simm.s32 $_tile_overlayer_lowered  }
0xa2: {  	s22 =	simm.s32 $0x1BFF;
	s21 =	sshll.u32 s8, $0x1;
	s5 =	sadd.s32 s19, s18  }
0xa3: {  	s9 =	simm.s32 $0x0;
	s20 =	sshll.u32 s7, $0x1;
	s7 =	sadd.s32 s21, s5  }
0xa4: {  	[timem:s9], [sflag:s22] =	dma.local [hbm:s7], s20  }
0xa5: {  	_ =	swait.ge [sflag:s22], s20  }
0xa6: {  	s6 =	ssub.s32 $0x0, s20;
	[sflag:s22] =	ssyncset.done $0x0  }
0xa7: {  	[sflag:s22] =	ssyncadd.s32 s6;
	_ =	sdelay $0x1  }
0xa8: {  	s23 =	simm.s32 $0x1B8B  }
0xa9: {  	_ =	swait.ge [sflag:s23], $0x1  }
0xaa: {  	[sflag:s23] =	ssyncset.done $0x0  }
0xab: {  	s25 =	simm.s32 $0x1B8E;
	s24 =	sld [smem:$0x3FFE];
	[sflag:s23] =	ssyncadd.s32 $0xFFFFFFFF  }
0xac: {  	s26 =	simm.s32 $execute0_lowered;
	[smem:$0x3FD2] =	sst s25  }
0xad: {  	s7 =	sshll.u32 s26, $0x1;
	_ =	strace $0x80000046;
	[dreg:$0x1] =	wrdreg $0xFFFFFFFF  }
0xae: {  	s28 =	simm.s32 $_size_execute0_lowered;
	s5 =	sadd.s32 s5, s7;
	[dreg:$0x0] =	wrdreg $0x0  }
0xaf: {  	s7 =	sshll.u32 s28, $0x1;
	[dreg:$0x2] =	wrdreg s5  }
0xb0: {  	[dreg:$0x3] =	wrdreg s7  }
0xb1: {  	[dreg:$0x4] =	wrdreg $0xC0  }
0xb2: {  	_ =	task [dreg:s9], $0x5FFFF  }
0xb3: {  	[dreg:$0x1] =	wrdreg $0xFFFFFFFF  }
0xb4: {  	[dreg:$0x0] =	wrdreg $0x60  }
0xb5: {  	[dreg:$0x2] =	wrdreg s24  }
0xb6: {  	[dreg:$0x3] =	wrdreg s4  }
0xb7: {  	[dreg:$0x4] =	wrdreg s15  }
0xb8: {  	[dreg:$0x5] =	wrdreg s16  }
0xb9: {  	[dreg:$0x6] =	wrdreg $0x0  }
0xba: {  	[dreg:$0x7] =	wrdreg $0x9  }
0xbb: {  	_ =	task.clear_ibuf [dreg:s9], $0x8FFFF;
	_ =	strace $0x90000046  }
0xbc: {  	s29 =	simm.s32 $0x9;
	_ =	strace $0x80000048  }
0xbd: {  	_ =	swait.ge [sflag:s29], $0x1  }
0xbe: {  	[sflag:s29] =	ssyncadd.s32 $0xFFFFFFFF  }
0xbf: {  	_ =	strace $0x90000048  }
0xc0: {  	_ =	sfence  }
0xc1: {  	s30 =	sld [smem:$0x0];
	_ =	sdelay $0x2  }
0xc2: {  	s31 =	sshll.u32 s1, $0xD;
	s1 =	sshrl.u32 s1, $0x2  }
0xc3: {  	s3 =	sand.u32 $0x4000, s31;
	s1 =	sadd.s32 s1, s30  }
0xc4: {  	s0 =	sor.u32 s3, s0;
	s1 =	sshll.u32 s1, $0x11  }
0xc5: {  	s0 =	sor.u32 s1, s0  }
0xc6: {  	s0 =	sadd.s32 $0x8F2B, s0  }
0xc7: {  	[sflag:s0] =	ssyncadd.remote.s32 $0x1  }
0xc8: {  	_ =	sfence.sel $0xFFFF  }
0xc9: {  	[dreg:$0x0] =	wrdreg $0xFFFFFFFF;
	(pc) =	sbr.abs _section_cstart, $3  }
0xca: {  	[dreg:$0x1] =	wrdreg $0xFFFFFFFF  }
0xcb: {  	_ =	task.clear_ibuf [dreg:s9], $0x2FFFF;
	_ =	strace $0x9FFFFFFF  }
0xcc: {  	(tm) =	ssettm $0x7FFFFFFF  }
0xcd: {  	_ =	shalt  }
tec
execute0_lowered:
.L_overlay_start_1:
0x0: {  	(tag) =	ssettag $0x1  }
0x1: {  	s0 =	rddreg [dreg:$0x0]  }
0x2: {  	s2 =	rddreg [dreg:$0x1]  }
0x3: {  	s3 =	rddreg [dreg:$0x2];
	s13 =	stileid.u32  }
0x4: {  	s1 =	srdreg.scid;
	s4 =	rddreg [dreg:$0x3];
	s30 =	simm.s32 $0x14000  }
0x5: {  	s31 =	simm.s32 $0x7;
	s5 =	smul.u32 $0x14000, s13;
	s6 =	sand.u32 $0x1, s1  }
0x6: {  	s1 =	rddreg [dreg:$0x4];
	s10 =	sshll.u32 s13, $0x1;
	s7 =	smul.u32 $0x140000, s6  }
0x7: {  	s16 =	ssub.s32 $0x2, s6;
	s10 =	sor.u32 s6, s10;
	s6 =	smul.u32 $0x27100, s6  }
0x8: {  	s8 =	sadd.s32 $0x2600, s0;
	s9 =	sshrl.u32 s5, $0x3;
	s12 =	smul.u32 $0x138800, s10  }
0x9: {  	s11 =	sshrl.u32 s16, $0x1;
	s17 =	sshll.u32 s10, $0xB;
	s10 =	smul.u32 $0x27100, s10  }
0xa: {  	s5 =	sadd.s32 s5, s7;
	s9 =	sadd.s32 s9, s0;
	s4 =	sadd.s32 s4, s17  }
0xb: {  	s5 =	sshrl.u32 s5, $0x3;
	[dreg:$0x6] =	wrdreg s4;
	s21 =	sadd.s32 s8, s10  }
0xc: {  	s18 =	sshrl.u32 s12, $0x3;
	s24 =	sadd.s32 s2, s10;
	[dreg:$0x7] =	wrdreg s21  }
0xd: {  	s12 =	sadd.s32 s3, s10;
	s14 =	sadd.s32 $0xF00, s10;
	[dreg:$0xa] =	wrdreg s24  }
0xe: {  	s0 =	sadd.s32 s5, s0;
	[dreg:$0xd] =	wrdreg s12;
	s15 =	sadd.s32 s8, s14  }
0xf: {  	s19 =	sadd.s32 $0x500, s18;
	s17 =	sadd.s32 s2, s14;
	[dreg:$0x10] =	wrdreg s15  }
0x10: {  	s20 =	sadd.s32 $0xA00, s18;
	s22 =	sadd.s32 s8, s19;
	[dreg:$0x12] =	wrdreg s17  }
0x11: {  	s5 =	ssub.s32 s16, s11;
	s23 =	sadd.s32 s8, s20;
	[dreg:$0x8] =	wrdreg s22  }
0x12: {  	s16 =	sadd.s32 $0x1400, s10;
	s25 =	sadd.s32 s2, s19;
	[dreg:$0x9] =	wrdreg s23  }
0x13: {  	s18 =	smul.u32 $0x4E200, s13;
	s26 =	sadd.s32 s2, s20;
	[dreg:$0xb] =	wrdreg s25  }
0x14: {  	s11 =	simm.s32 $0x6;
	s4 =	sadd.s32 s3, s19;
	[dreg:$0xc] =	wrdreg s26  }
0x15: {  	s12 =	simm.s32 $0x17D80;
	s7 =	sadd.s32 s3, s20;
	[dreg:$0xe] =	wrdreg s4  }
0x16: {  	s10 =	sadd.s32 s8, s16;
	s20 =	sadd.s32 s2, s16;
	[dreg:$0xf] =	wrdreg s7  }
0x17: {  	s21 =	sadd.s32 s3, s16;
	s19 =	simm.s32 $0x0;
	[dreg:$0x11] =	wrdreg s10  }
0x18: {  	s28 =	sadd.s32 $0x5AC600, s0;
	s29 =	smax.u32 s5, $0x1;
	[dreg:$0x13] =	wrdreg s20  }
0x19: {  	s5 =	simm.s32 $0x2;
	s4 =	sadd.s32 s3, s14;
	[dreg:$0x15] =	wrdreg s21  }
0x1a: {  	s22 =	sadd.s32 s18, s8;
	s2 =	sadd.s32 s18, s2;
	s3 =	sadd.s32 s18, s3  }
0x1b: {  	[smem:$0x7FF] =	sst s19;
	s23 =	smul.u32 $0x50000, s13;
	s25 =	sadd.s32 $0x50C600, s0  }
0x1c: {  	s26 =	sadd.s32 $0x55C600, s0;
	s18 =	simm.s32 $0x18000;
	s0 =	simm.s32 $0x1A800  }
0x1d: {  	s7 =	simm.s32 $0x4;
	s8 =	simm.s32 $0x3;
	s10 =	simm.s32 $0x5  }
0x1e: {  	s13 =	simm.s32 $0x17E00;
	s14 =	simm.s32 $0x0;
	[dreg:$0x14] =	wrdreg s4  }
0x1f: {  	s20 =	sadd.s32 s6, s22;
	s21 =	sadd.s32 s6, s2;
	s22 =	sadd.s32 s6, s3  }
0x20: {  	s3 =	simm.s32 $0x50;
	s4 =	simm.s32 $0x1D000;
	s6 =	simm.s32 $0x14080  }
0x21: {  	_ =	strace $0x80000047;
	s24 =	sshrl.u32 s23, $0x2;
	[dreg:$0x16] =	wrdreg s25  }
0x22: {  	s23 =	sadd.s32 $0x4E4600, s9;
	[dreg:$0x18] =	wrdreg s26;
	s2 =	sadd.s32 s24, s1  }
0x23: {  	s9 =	simm.s32 $0x14100;
	[dreg:$0x17] =	wrdreg s2;
	s2 =	simm.s32 $0x1  }
.LBB2_1:
0x24: {  	s15 =	rddreg [dreg:$0x6]  }
0x25: {  	[tilespmem:s30], [sflag:$0x7] =	stream.linear.gather [hbm4b:s15+s19], $0x3E80, $0x38;
	[tilespmem:$0x1F800] =	vst v63  }
0x26: {  	s25 =	stileid.u32;
	_ =	swait.ge [sflag:s31], $0x3E80  }
0x27: {  	s15 =	sshll.u32 s25, $0x6;
	[sflag:s31] =	ssyncset.done $0x0;
	s16 =	rddreg [dreg:$0x17]  }
0x28: {  	s15 =	sor.u32 $0x1C07, s15;
	[sflag:s31] =	ssyncadd.s32 $0xFFFFC180;
	s16 =	sshrl.u32 s16, $0x3  }
0x29: {  	[spmem:s16], [sflag:s15] =	dma.local [hbm:s23], $0x2800  }
0x2a: {  	_ =	swait.ge [sflag:s31], $0x2800  }
0x2b: {  	[sflag:s31] =	ssyncset.done $0x0  }
0x2c: {  	[sflag:s31] =	ssyncadd.s32 $0xFFFFD800  }
0x2d: {  	[bflag:$0x0] =	sbarrier.arrive $0xFFFF  }
0x2e: {  	s17 =	rddreg [dreg:$0x7]  }
0x2f: {  	[tilespmem:s18], [sflag:$0x1] =	stream.linear.gather [hbm4b:s17+s19], $0x2800, $0x38;
	[tilespmem:$0x1F800] =	vst v63  }
0x30: {  	s26 =	rddreg [dreg:$0x8]  }
0x31: {  	[tilespmem:s0], [sflag:$0x2] =	stream.linear.gather [hbm4b:s26+s19], $0x2800, $0x38;
	[tilespmem:$0x1F800] =	vst v63  }
0x32: {  	_ =	swait.ge [sflag:s2], $0x2800  }
0x33: {  	[sflag:s2] =	ssyncset.done $0x0  }
0x34: {  	[sflag:s2] =	ssyncadd.s32 $0xFFFFD800  }
0x35: {  	[spmem:s1] =	stream.indirect.scatter.add.f32 [tilespmem:s18], [sflag:$0x4], $0x80, s30, s3, $0xb8;
	[tilespmem:$0x1F800] =	vst v63  }
0x36: {  	s24 =	rddreg [dreg:$0x9]  }
0x37: {  	[tilespmem:s4], [sflag:$0x3] =	stream.linear.gather [hbm4b:s24+s19], $0x2800, $0x38;
	[tilespmem:$0x1F800] =	vst v63  }
0x38: {  	_ =	swait.ge [sflag:s5], $0x2800  }
0x39: {  	[sflag:s5] =	ssyncset.done $0x0  }
0x3a: {  	[sflag:s5] =	ssyncadd.s32 $0xFFFFD800  }
0x3b: {  	[spmem:s1] =	stream.indirect.scatter.add.f32 [tilespmem:s0], [sflag:$0x5], $0x80, s6, s3, $0xb8;
	[tilespmem:$0x1F800] =	vst v63  }
0x3c: {  	_ =	swait.ge [sflag:s7], $0x2800  }
0x3d: {  	[sflag:s7] =	ssyncset.done $0x0  }
0x3e: {  	s25 =	rddreg [dreg:$0x10];
	[sflag:s7] =	ssyncadd.s32 $0xFFFFD800  }
0x3f: {  	[tilespmem:s18], [sflag:$0x1] =	stream.linear.gather [hbm4b:s25+s19], $0x2800, $0x38;
	[tilespmem:$0x1F800] =	vst v63  }
0x40: {  	_ =	swait.ge [sflag:s8], $0x2800  }
0x41: {  	[sflag:s8] =	ssyncset.done $0x0  }
0x42: {  	[sflag:s8] =	ssyncadd.s32 $0xFFFFD800  }
0x43: {  	[spmem:s1] =	stream.indirect.scatter.add.f32 [tilespmem:s4], [sflag:$0x6], $0x80, s9, s3, $0xb8;
	[tilespmem:$0x1F800] =	vst v63  }
0x44: {  	_ =	swait.ge [sflag:s10], $0x2800  }
0x45: {  	[sflag:s10] =	ssyncset.done $0x0  }
0x46: {  	s26 =	rddreg [dreg:$0x11];
	[sflag:s10] =	ssyncadd.s32 $0xFFFFD800  }
0x47: {  	[tilespmem:s0], [sflag:$0x2] =	stream.linear.gather [hbm4b:s26+s19], $0x2800, $0x38;
	[tilespmem:$0x1F800] =	vst v63  }
0x48: {  	_ =	swait.ge [sflag:s2], $0x2800  }
0x49: {  	[sflag:s2] =	ssyncset.done $0x0  }
0x4a: {  	s24 =	simm.s32 $0x14180;
	[sflag:s2] =	ssyncadd.s32 $0xFFFFD800  }
0x4b: {  	[spmem:s1] =	stream.indirect.scatter.add.f32 [tilespmem:s18], [sflag:$0x4], $0x80, s24, s3, $0xb8;
	[tilespmem:$0x1F800] =	vst v63  }
0x4c: {  	_ =	swait.ge [sflag:s11], $0x2800  }
0x4d: {  	s24 =	sadd.s32 $0x0, s20;
	[sflag:s11] =	ssyncset.done $0x0  }
0x4e: {  	s25 =	sadd.s32 $0x1900, s24;
	[sflag:s11] =	ssyncadd.s32 $0xFFFFD800  }
0x4f: {  	[tilespmem:s4], [sflag:$0x3] =	stream.linear.gather [hbm4b:s25+s19], $0x2800, $0x38;
	[tilespmem:$0x1F800] =	vst v63  }
0x50: {  	_ =	swait.ge [sflag:s5], $0x2800  }
0x51: {  	[sflag:s5] =	ssyncset.done $0x0  }
0x52: {  	s26 =	simm.s32 $0x14200;
	[sflag:s5] =	ssyncadd.s32 $0xFFFFD800  }
0x53: {  	[spmem:s1] =	stream.indirect.scatter.add.f32 [tilespmem:s0], [sflag:$0x5], $0x80, s26, s3, $0xb8;
	[tilespmem:$0x1F800] =	vst v63  }
0x54: {  	_ =	swait.ge [sflag:s7], $0x2800  }
0x55: {  	[sflag:s7] =	ssyncset.done $0x0  }
0x56: {  	s25 =	sadd.s32 $0x1E00, s24;
	[sflag:s7] =	ssyncadd.s32 $0xFFFFD800  }
0x57: {  	[tilespmem:s18], [sflag:$0x1] =	stream.linear.gather [hbm4b:s25+s19], $0x2800, $0x38;
	[tilespmem:$0x1F800] =	vst v63  }
0x58: {  	_ =	swait.ge [sflag:s8], $0x2800  }
0x59: {  	[sflag:s8] =	ssyncset.done $0x0  }
0x5a: {  	s26 =	simm.s32 $0x14280;
	[sflag:s8] =	ssyncadd.s32 $0xFFFFD800  }
0x5b: {  	[spmem:s1] =	stream.indirect.scatter.add.f32 [tilespmem:s4], [sflag:$0x6], $0x80, s26, s3, $0xb8;
	[tilespmem:$0x1F800] =	vst v63  }
0x5c: {  	_ =	swait.ge [sflag:s10], $0x2800  }
0x5d: {  	s17 =	simm.s32 $0xF00;
	[sflag:s10] =	ssyncset.done $0x0  }
0x5e: {  	s25 =	sadd.s32 $0x2300, s24;
	s24 =	simm.s32 $0x14400;
	[sflag:s10] =	ssyncadd.s32 $0xFFFFD800  }
.LBB2_2:
0x5f: {  	[tilespmem:s0], [sflag:$0x2] =	stream.linear.gather [hbm4b:s25+s19], $0x2800, $0x38;
	[tilespmem:$0x1F800] =	vst v63  }
0x60: {  	s25 =	smov.u32 s17  }
0x61: {  	p0 =	sne.s32 s17, $0x24900;
	s17 =	sadd.s32 $0xF00, s17;
	_ =	swait.ge [sflag:s2], $0x2800  }
0x62: {  	[sflag:s2] =	ssyncset.done $0x0  }
0x63: {  	s26 =	sadd.s32 $0xFFFFFF00, s24;
	[sflag:s2] =	ssyncadd.s32 $0xFFFFD800  }
0x64: {  	[spmem:s1] =	stream.indirect.scatter.add.f32 [tilespmem:s18], [sflag:$0x4], $0x80, s26, s3, $0xb8;
	[tilespmem:$0x1F800] =	vst v63  }
0x65: {  	_ =	swait.ge [sflag:s11], $0x2800  }
0x66: {  	s25 =	sadd.s32 s25, s20;
	[sflag:s11] =	ssyncset.done $0x0  }
0x67: {  	s26 =	sadd.s32 $0x1900, s25;
	[sflag:s11] =	ssyncadd.s32 $0xFFFFD800  }
0x68: {  	[tilespmem:s4], [sflag:$0x3] =	stream.linear.gather [hbm4b:s26+s19], $0x2800, $0x38;
	[tilespmem:$0x1F800] =	vst v63  }
0x69: {  	_ =	swait.ge [sflag:s5], $0x2800  }
0x6a: {  	[sflag:s5] =	ssyncset.done $0x0  }
0x6b: {  	s26 =	sadd.s32 $0xFFFFFF80, s24;
	[sflag:s5] =	ssyncadd.s32 $0xFFFFD800  }
0x6c: {  	[spmem:s1] =	stream.indirect.scatter.add.f32 [tilespmem:s0], [sflag:$0x5], $0x80, s26, s3, $0xb8;
	[tilespmem:$0x1F800] =	vst v63  }
0x6d: {  	_ =	swait.ge [sflag:s7], $0x2800  }
0x6e: {  	[sflag:s7] =	ssyncset.done $0x0  }
0x6f: {  	s26 =	sadd.s32 $0x1E00, s25;
	[sflag:s7] =	ssyncadd.s32 $0xFFFFD800  }
0x70: {  	[tilespmem:s18], [sflag:$0x1] =	stream.linear.gather [hbm4b:s26+s19], $0x2800, $0x38;
	[tilespmem:$0x1F800] =	vst v63  }
0x71: {  	_ =	swait.ge [sflag:s8], $0x2800  }
0x72: {  	[sflag:s8] =	ssyncset.done $0x0  }
.Ltmp0:
0x73: {  	[sflag:s8] =	ssyncadd.s32 $0xFFFFD800;
	(pc) =	sbr.rel @p0 .LBB2_2-.Ltmp0, $4  }
0x74: {  	[spmem:s1] =	stream.indirect.scatter.add.f32 [tilespmem:s4], [sflag:$0x6], $0x80, s24, s3, $0xb8;
	[tilespmem:$0x1F800] =	vst v63  }
0x75: {  	_ =	swait.ge [sflag:s10], $0x2800  }
0x76: {  	[sflag:s10] =	ssyncset.done $0x0  }
0x77: {  	s25 =	sadd.s32 $0x2300, s25;
	s24 =	sadd.s32 $0x180, s24;
	[sflag:s10] =	ssyncadd.s32 $0xFFFFD800  }
0x78: {  	[tilespmem:s0], [sflag:$0x2] =	stream.linear.gather [hbm4b:s25+s19], $0x2800, $0x38;
	[tilespmem:$0x1F800] =	vst v63  }
0x79: {  	_ =	swait.ge [sflag:s2], $0x2800  }
0x7a: {  	[sflag:s2] =	ssyncset.done $0x0  }
0x7b: {  	[sflag:s2] =	ssyncadd.s32 $0xFFFFD800  }
0x7c: {  	[spmem:s1] =	stream.indirect.scatter.add.f32 [tilespmem:s18], [sflag:$0x4], $0x80, s12, s3, $0xb8;
	[tilespmem:$0x1F800] =	vst v63  }
0x7d: {  	_ =	swait.ge [sflag:s5], $0x2800  }
0x7e: {  	[sflag:s5] =	ssyncset.done $0x0  }
0x7f: {  	[sflag:s5] =	ssyncadd.s32 $0xFFFFD800  }
0x80: {  	[spmem:s1] =	stream.indirect.scatter.add.f32 [tilespmem:s0], [sflag:$0x5], $0x80, s13, s3, $0xb8;
	[tilespmem:$0x1F800] =	vst v63  }
0x81: {  	_ =	swait.ge [sflag:s7], $0x2800  }
0x82: {  	[sflag:s7] =	ssyncset.done $0x0  }
0x83: {  	[sflag:s7] =	ssyncadd.s32 $0xFFFFD800  }
0x84: {  	_ =	swait.ge [sflag:s10], $0x2800  }
0x85: {  	[sflag:s10] =	ssyncset.done $0x0  }
0x86: {  	[sflag:s10] =	ssyncadd.s32 $0xFFFFD800  }
0x87: {  	_ =	swait.ge [sflag:s11], $0x2800  }
0x88: {  	[sflag:s11] =	ssyncset.done $0x0  }
0x89: {  	[sflag:s11] =	ssyncadd.s32 $0xFFFFD800  }
0x8a: {  	[bflag:$0x0] =	sbarrier.arrive $0xFFFF  }
0x8b: {  	s17 =	rddreg [dreg:$0x16]  }
0x8c: {  	[hbm:s17], [sflag:s15] =	dma.local [spmem:s16], $0x2800  }
0x8d: {  	_ =	swait.ge [sflag:s31], $0x2800  }
0x8e: {  	[sflag:s31] =	ssyncset.done $0x0  }
0x8f: {  	[sflag:s31] =	ssyncadd.s32 $0xFFFFD800  }
0x90: {  	[spmem:s16], [sflag:s15] =	dma.local [hbm:s23], $0x2800  }
0x91: {  	_ =	swait.ge [sflag:s31], $0x2800  }
0x92: {  	[sflag:s31] =	ssyncset.done $0x0  }
0x93: {  	[sflag:s31] =	ssyncadd.s32 $0xFFFFD800  }
0x94: {  	[bflag:$0x0] =	sbarrier.arrive $0xFFFF  }
0x95: {  	s17 =	simm.s32 $0x0;
	s24 =	rddreg [dreg:$0xa]  }
0x96: {  	[tilespmem:s18], [sflag:$0x1] =	stream.linear.gather [hbm4b:s24+s17], $0x2800, $0x38;
	[tilespmem:$0x1F800] =	vst v63  }
0x97: {  	s25 =	rddreg [dreg:$0xb]  }
0x98: {  	[tilespmem:s0], [sflag:$0x2] =	stream.linear.gather [hbm4b:s25+s17], $0x2800, $0x38;
	[tilespmem:$0x1F800] =	vst v63  }
0x99: {  	_ =	swait.ge [sflag:s2], $0x2800  }
0x9a: {  	[sflag:s2] =	ssyncset.done $0x0  }
0x9b: {  	[sflag:s2] =	ssyncadd.s32 $0xFFFFD800  }
0x9c: {  	[spmem:s1] =	stream.indirect.scatter.add.f32 [tilespmem:s18], [sflag:$0x4], $0x80, s30, s3, $0xb8;
	[tilespmem:$0x1F800] =	vst v63  }
0x9d: {  	s26 =	rddreg [dreg:$0xc]  }
0x9e: {  	[tilespmem:s4], [sflag:$0x3] =	stream.linear.gather [hbm4b:s26+s17], $0x2800, $0x38;
	[tilespmem:$0x1F800] =	vst v63  }
0x9f: {  	_ =	swait.ge [sflag:s5], $0x2800  }
0xa0: {  	[sflag:s5] =	ssyncset.done $0x0  }
0xa1: {  	[sflag:s5] =	ssyncadd.s32 $0xFFFFD800  }
0xa2: {  	[spmem:s1] =	stream.indirect.scatter.add.f32 [tilespmem:s0], [sflag:$0x5], $0x80, s6, s3, $0xb8;
	[tilespmem:$0x1F800] =	vst v63  }
0xa3: {  	_ =	swait.ge [sflag:s7], $0x2800  }
0xa4: {  	[sflag:s7] =	ssyncset.done $0x0  }
0xa5: {  	s25 =	rddreg [dreg:$0x12];
	[sflag:s7] =	ssyncadd.s32 $0xFFFFD800  }
0xa6: {  	[tilespmem:s18], [sflag:$0x1] =	stream.linear.gather [hbm4b:s25+s17], $0x2800, $0x38;
	[tilespmem:$0x1F800] =	vst v63  }
0xa7: {  	_ =	swait.ge [sflag:s8], $0x2800  }
0xa8: {  	[sflag:s8] =	ssyncset.done $0x0  }
0xa9: {  	[sflag:s8] =	ssyncadd.s32 $0xFFFFD800  }
0xaa: {  	[spmem:s1] =	stream.indirect.scatter.add.f32 [tilespmem:s4], [sflag:$0x6], $0x80, s9, s3, $0xb8;
	[tilespmem:$0x1F800] =	vst v63  }
0xab: {  	_ =	swait.ge [sflag:s10], $0x2800  }
0xac: {  	[sflag:s10] =	ssyncset.done $0x0  }
0xad: {  	s26 =	rddreg [dreg:$0x13];
	[sflag:s10] =	ssyncadd.s32 $0xFFFFD800  }
0xae: {  	[tilespmem:s0], [sflag:$0x2] =	stream.linear.gather [hbm4b:s26+s17], $0x2800, $0x38;
	[tilespmem:$0x1F800] =	vst v63  }
0xaf: {  	_ =	swait.ge [sflag:s2], $0x2800  }
0xb0: {  	[sflag:s2] =	ssyncset.done $0x0  }
0xb1: {  	s24 =	simm.s32 $0x14180;
	[sflag:s2] =	ssyncadd.s32 $0xFFFFD800  }
0xb2: {  	[spmem:s1] =	stream.indirect.scatter.add.f32 [tilespmem:s18], [sflag:$0x4], $0x80, s24, s3, $0xb8;
	[tilespmem:$0x1F800] =	vst v63  }
0xb3: {  	_ =	swait.ge [sflag:s11], $0x2800  }
0xb4: {  	s24 =	sadd.s32 $0x0, s21;
	[sflag:s11] =	ssyncset.done $0x0  }
0xb5: {  	s25 =	sadd.s32 $0x1900, s24;
	[sflag:s11] =	ssyncadd.s32 $0xFFFFD800  }
0xb6: {  	[tilespmem:s4], [sflag:$0x3] =	stream.linear.gather [hbm4b:s25+s19], $0x2800, $0x38;
	[tilespmem:$0x1F800] =	vst v63  }
0xb7: {  	_ =	swait.ge [sflag:s5], $0x2800  }
0xb8: {  	[sflag:s5] =	ssyncset.done $0x0  }
0xb9: {  	s26 =	simm.s32 $0x14200;
	[sflag:s5] =	ssyncadd.s32 $0xFFFFD800  }
0xba: {  	[spmem:s1] =	stream.indirect.scatter.add.f32 [tilespmem:s0], [sflag:$0x5], $0x80, s26, s3, $0xb8;
	[tilespmem:$0x1F800] =	vst v63  }
0xbb: {  	_ =	swait.ge [sflag:s7], $0x2800  }
0xbc: {  	[sflag:s7] =	ssyncset.done $0x0  }
0xbd: {  	s25 =	sadd.s32 $0x1E00, s24;
	[sflag:s7] =	ssyncadd.s32 $0xFFFFD800  }
0xbe: {  	[tilespmem:s18], [sflag:$0x1] =	stream.linear.gather [hbm4b:s25+s19], $0x2800, $0x38;
	[tilespmem:$0x1F800] =	vst v63  }
0xbf: {  	_ =	swait.ge [sflag:s8], $0x2800  }
0xc0: {  	[sflag:s8] =	ssyncset.done $0x0  }
0xc1: {  	s26 =	simm.s32 $0x14280;
	[sflag:s8] =	ssyncadd.s32 $0xFFFFD800  }
0xc2: {  	[spmem:s1] =	stream.indirect.scatter.add.f32 [tilespmem:s4], [sflag:$0x6], $0x80, s26, s3, $0xb8;
	[tilespmem:$0x1F800] =	vst v63  }
0xc3: {  	_ =	swait.ge [sflag:s10], $0x2800  }
0xc4: {  	s17 =	simm.s32 $0xF00;
	[sflag:s10] =	ssyncset.done $0x0  }
0xc5: {  	s25 =	sadd.s32 $0x2300, s24;
	s24 =	simm.s32 $0x14400;
	[sflag:s10] =	ssyncadd.s32 $0xFFFFD800  }
.LBB2_4:
0xc6: {  	[tilespmem:s0], [sflag:$0x2] =	stream.linear.gather [hbm4b:s25+s19], $0x2800, $0x38;
	[tilespmem:$0x1F800] =	vst v63  }
0xc7: {  	s25 =	smov.u32 s17  }
0xc8: {  	p0 =	sne.s32 s17, $0x24900;
	s17 =	sadd.s32 $0xF00, s17;
	_ =	swait.ge [sflag:s2], $0x2800  }
0xc9: {  	[sflag:s2] =	ssyncset.done $0x0  }
0xca: {  	s26 =	sadd.s32 $0xFFFFFF00, s24;
	[sflag:s2] =	ssyncadd.s32 $0xFFFFD800  }
0xcb: {  	[spmem:s1] =	stream.indirect.scatter.add.f32 [tilespmem:s18], [sflag:$0x4], $0x80, s26, s3, $0xb8;
	[tilespmem:$0x1F800] =	vst v63  }
0xcc: {  	_ =	swait.ge [sflag:s11], $0x2800  }
0xcd: {  	s25 =	sadd.s32 s25, s21;
	[sflag:s11] =	ssyncset.done $0x0  }
0xce: {  	s26 =	sadd.s32 $0x1900, s25;
	[sflag:s11] =	ssyncadd.s32 $0xFFFFD800  }
0xcf: {  	[tilespmem:s4], [sflag:$0x3] =	stream.linear.gather [hbm4b:s26+s19], $0x2800, $0x38;
	[tilespmem:$0x1F800] =	vst v63  }
0xd0: {  	_ =	swait.ge [sflag:s5], $0x2800  }
0xd1: {  	[sflag:s5] =	ssyncset.done $0x0  }
0xd2: {  	s26 =	sadd.s32 $0xFFFFFF80, s24;
	[sflag:s5] =	ssyncadd.s32 $0xFFFFD800  }
0xd3: {  	[spmem:s1] =	stream.indirect.scatter.add.f32 [tilespmem:s0], [sflag:$0x5], $0x80, s26, s3, $0xb8;
	[tilespmem:$0x1F800] =	vst v63  }
0xd4: {  	_ =	swait.ge [sflag:s7], $0x2800  }
0xd5: {  	[sflag:s7] =	ssyncset.done $0x0  }
0xd6: {  	s26 =	sadd.s32 $0x1E00, s25;
	[sflag:s7] =	ssyncadd.s32 $0xFFFFD800  }
0xd7: {  	[tilespmem:s18], [sflag:$0x1] =	stream.linear.gather [hbm4b:s26+s19], $0x2800, $0x38;
	[tilespmem:$0x1F800] =	vst v63  }
0xd8: {  	_ =	swait.ge [sflag:s8], $0x2800  }
0xd9: {  	[sflag:s8] =	ssyncset.done $0x0  }
.Ltmp1:
0xda: {  	[sflag:s8] =	ssyncadd.s32 $0xFFFFD800;
	(pc) =	sbr.rel @p0 .LBB2_4-.Ltmp1, $4  }
0xdb: {  	[spmem:s1] =	stream.indirect.scatter.add.f32 [tilespmem:s4], [sflag:$0x6], $0x80, s24, s3, $0xb8;
	[tilespmem:$0x1F800] =	vst v63  }
0xdc: {  	_ =	swait.ge [sflag:s10], $0x2800  }
0xdd: {  	[sflag:s10] =	ssyncset.done $0x0  }
0xde: {  	s25 =	sadd.s32 $0x2300, s25;
	s24 =	sadd.s32 $0x180, s24;
	[sflag:s10] =	ssyncadd.s32 $0xFFFFD800  }
0xdf: {  	[tilespmem:s0], [sflag:$0x2] =	stream.linear.gather [hbm4b:s25+s19], $0x2800, $0x38;
	[tilespmem:$0x1F800] =	vst v63  }
0xe0: {  	_ =	swait.ge [sflag:s2], $0x2800  }
0xe1: {  	[sflag:s2] =	ssyncset.done $0x0  }
0xe2: {  	[sflag:s2] =	ssyncadd.s32 $0xFFFFD800  }
0xe3: {  	[spmem:s1] =	stream.indirect.scatter.add.f32 [tilespmem:s18], [sflag:$0x4], $0x80, s12, s3, $0xb8;
	[tilespmem:$0x1F800] =	vst v63  }
0xe4: {  	_ =	swait.ge [sflag:s5], $0x2800  }
0xe5: {  	[sflag:s5] =	ssyncset.done $0x0  }
0xe6: {  	[sflag:s5] =	ssyncadd.s32 $0xFFFFD800  }
0xe7: {  	[spmem:s1] =	stream.indirect.scatter.add.f32 [tilespmem:s0], [sflag:$0x5], $0x80, s13, s3, $0xb8;
	[tilespmem:$0x1F800] =	vst v63  }
0xe8: {  	_ =	swait.ge [sflag:s7], $0x2800  }
0xe9: {  	[sflag:s7] =	ssyncset.done $0x0  }
0xea: {  	[sflag:s7] =	ssyncadd.s32 $0xFFFFD800  }
0xeb: {  	_ =	swait.ge [sflag:s10], $0x2800  }
0xec: {  	[sflag:s10] =	ssyncset.done $0x0  }
0xed: {  	[sflag:s10] =	ssyncadd.s32 $0xFFFFD800  }
0xee: {  	_ =	swait.ge [sflag:s11], $0x2800  }
0xef: {  	[sflag:s11] =	ssyncset.done $0x0  }
0xf0: {  	[sflag:s11] =	ssyncadd.s32 $0xFFFFD800  }
0xf1: {  	[bflag:$0x0] =	sbarrier.arrive $0xFFFF  }
0xf2: {  	s17 =	rddreg [dreg:$0x18]  }
0xf3: {  	[hbm:s17], [sflag:s15] =	dma.local [spmem:s16], $0x2800  }
0xf4: {  	_ =	swait.ge [sflag:s31], $0x2800  }
0xf5: {  	[sflag:s31] =	ssyncset.done $0x0  }
0xf6: {  	[sflag:s31] =	ssyncadd.s32 $0xFFFFD800  }
0xf7: {  	[spmem:s16], [sflag:s15] =	dma.local [hbm:s23], $0x2800  }
0xf8: {  	_ =	swait.ge [sflag:s31], $0x2800  }
0xf9: {  	[sflag:s31] =	ssyncset.done $0x0  }
0xfa: {  	[sflag:s31] =	ssyncadd.s32 $0xFFFFD800  }
0xfb: {  	[bflag:$0x0] =	sbarrier.arrive $0xFFFF  }
0xfc: {  	s17 =	simm.s32 $0x0;
	s24 =	rddreg [dreg:$0xd]  }
0xfd: {  	[tilespmem:s18], [sflag:$0x1] =	stream.linear.gather [hbm4b:s24+s17], $0x2800, $0x38;
	[tilespmem:$0x1F800] =	vst v63  }
0xfe: {  	s25 =	rddreg [dreg:$0xe]  }
0xff: {  	[tilespmem:s0], [sflag:$0x2] =	stream.linear.gather [hbm4b:s25+s17], $0x2800, $0x38;
	[tilespmem:$0x1F800] =	vst v63  }
0x100: {  	_ =	swait.ge [sflag:s2], $0x2800  }
0x101: {  	[sflag:s2] =	ssyncset.done $0x0  }
0x102: {  	[sflag:s2] =	ssyncadd.s32 $0xFFFFD800  }
0x103: {  	[spmem:s1] =	stream.indirect.scatter.add.f32 [tilespmem:s18], [sflag:$0x4], $0x80, s30, s3, $0xb8;
	[tilespmem:$0x1F800] =	vst v63  }
0x104: {  	s26 =	rddreg [dreg:$0xf]  }
0x105: {  	[tilespmem:s4], [sflag:$0x3] =	stream.linear.gather [hbm4b:s26+s17], $0x2800, $0x38;
	[tilespmem:$0x1F800] =	vst v63  }
0x106: {  	_ =	swait.ge [sflag:s5], $0x2800  }
0x107: {  	[sflag:s5] =	ssyncset.done $0x0  }
0x108: {  	[sflag:s5] =	ssyncadd.s32 $0xFFFFD800  }
0x109: {  	[spmem:s1] =	stream.indirect.scatter.add.f32 [tilespmem:s0], [sflag:$0x5], $0x80, s6, s3, $0xb8;
	[tilespmem:$0x1F800] =	vst v63  }
0x10a: {  	_ =	swait.ge [sflag:s7], $0x2800  }
0x10b: {  	[sflag:s7] =	ssyncset.done $0x0  }
0x10c: {  	s25 =	rddreg [dreg:$0x14];
	[sflag:s7] =	ssyncadd.s32 $0xFFFFD800  }
0x10d: {  	[tilespmem:s18], [sflag:$0x1] =	stream.linear.gather [hbm4b:s25+s17], $0x2800, $0x38;
	[tilespmem:$0x1F800] =	vst v63  }
0x10e: {  	_ =	swait.ge [sflag:s8], $0x2800  }
0x10f: {  	[sflag:s8] =	ssyncset.done $0x0  }
0x110: {  	[sflag:s8] =	ssyncadd.s32 $0xFFFFD800  }
0x111: {  	[spmem:s1] =	stream.indirect.scatter.add.f32 [tilespmem:s4], [sflag:$0x6], $0x80, s9, s3, $0xb8;
	[tilespmem:$0x1F800] =	vst v63  }
0x112: {  	_ =	swait.ge [sflag:s10], $0x2800  }
0x113: {  	[sflag:s10] =	ssyncset.done $0x0  }
0x114: {  	s26 =	rddreg [dreg:$0x15];
	[sflag:s10] =	ssyncadd.s32 $0xFFFFD800  }
0x115: {  	[tilespmem:s0], [sflag:$0x2] =	stream.linear.gather [hbm4b:s26+s17], $0x2800, $0x38;
	[tilespmem:$0x1F800] =	vst v63  }
0x116: {  	_ =	swait.ge [sflag:s2], $0x2800  }
0x117: {  	[sflag:s2] =	ssyncset.done $0x0  }
0x118: {  	s24 =	simm.s32 $0x14180;
	[sflag:s2] =	ssyncadd.s32 $0xFFFFD800  }
0x119: {  	[spmem:s1] =	stream.indirect.scatter.add.f32 [tilespmem:s18], [sflag:$0x4], $0x80, s24, s3, $0xb8;
	[tilespmem:$0x1F800] =	vst v63  }
0x11a: {  	_ =	swait.ge [sflag:s11], $0x2800  }
0x11b: {  	s24 =	sadd.s32 $0x0, s22;
	[sflag:s11] =	ssyncset.done $0x0  }
0x11c: {  	s25 =	sadd.s32 $0x1900, s24;
	[sflag:s11] =	ssyncadd.s32 $0xFFFFD800  }
0x11d: {  	[tilespmem:s4], [sflag:$0x3] =	stream.linear.gather [hbm4b:s25+s19], $0x2800, $0x38;
	[tilespmem:$0x1F800] =	vst v63  }
0x11e: {  	_ =	swait.ge [sflag:s5], $0x2800  }
0x11f: {  	[sflag:s5] =	ssyncset.done $0x0  }
0x120: {  	s26 =	simm.s32 $0x14200;
	[sflag:s5] =	ssyncadd.s32 $0xFFFFD800  }
0x121: {  	[spmem:s1] =	stream.indirect.scatter.add.f32 [tilespmem:s0], [sflag:$0x5], $0x80, s26, s3, $0xb8;
	[tilespmem:$0x1F800] =	vst v63  }
0x122: {  	_ =	swait.ge [sflag:s7], $0x2800  }
0x123: {  	[sflag:s7] =	ssyncset.done $0x0  }
0x124: {  	s25 =	sadd.s32 $0x1E00, s24;
	[sflag:s7] =	ssyncadd.s32 $0xFFFFD800  }
0x125: {  	[tilespmem:s18], [sflag:$0x1] =	stream.linear.gather [hbm4b:s25+s19], $0x2800, $0x38;
	[tilespmem:$0x1F800] =	vst v63  }
0x126: {  	_ =	swait.ge [sflag:s8], $0x2800  }
0x127: {  	[sflag:s8] =	ssyncset.done $0x0  }
0x128: {  	s26 =	simm.s32 $0x14280;
	[sflag:s8] =	ssyncadd.s32 $0xFFFFD800  }
0x129: {  	[spmem:s1] =	stream.indirect.scatter.add.f32 [tilespmem:s4], [sflag:$0x6], $0x80, s26, s3, $0xb8;
	[tilespmem:$0x1F800] =	vst v63  }
0x12a: {  	_ =	swait.ge [sflag:s10], $0x2800  }
0x12b: {  	s17 =	simm.s32 $0xF00;
	[sflag:s10] =	ssyncset.done $0x0  }
0x12c: {  	s25 =	sadd.s32 $0x2300, s24;
	s24 =	simm.s32 $0x14400;
	[sflag:s10] =	ssyncadd.s32 $0xFFFFD800  }
.LBB2_6:
0x12d: {  	[tilespmem:s0], [sflag:$0x2] =	stream.linear.gather [hbm4b:s25+s19], $0x2800, $0x38;
	[tilespmem:$0x1F800] =	vst v63  }
0x12e: {  	s25 =	smov.u32 s17  }
0x12f: {  	p0 =	sne.s32 s17, $0x24900;
	s17 =	sadd.s32 $0xF00, s17;
	_ =	swait.ge [sflag:s2], $0x2800  }
0x130: {  	[sflag:s2] =	ssyncset.done $0x0  }
0x131: {  	s26 =	sadd.s32 $0xFFFFFF00, s24;
	[sflag:s2] =	ssyncadd.s32 $0xFFFFD800  }
0x132: {  	[spmem:s1] =	stream.indirect.scatter.add.f32 [tilespmem:s18], [sflag:$0x4], $0x80, s26, s3, $0xb8;
	[tilespmem:$0x1F800] =	vst v63  }
0x133: {  	_ =	swait.ge [sflag:s11], $0x2800  }
0x134: {  	s25 =	sadd.s32 s25, s22;
	[sflag:s11] =	ssyncset.done $0x0  }
0x135: {  	s26 =	sadd.s32 $0x1900, s25;
	[sflag:s11] =	ssyncadd.s32 $0xFFFFD800  }
0x136: {  	[tilespmem:s4], [sflag:$0x3] =	stream.linear.gather [hbm4b:s26+s19], $0x2800, $0x38;
	[tilespmem:$0x1F800] =	vst v63  }
0x137: {  	_ =	swait.ge [sflag:s5], $0x2800  }
0x138: {  	[sflag:s5] =	ssyncset.done $0x0  }
0x139: {  	s26 =	sadd.s32 $0xFFFFFF80, s24;
	[sflag:s5] =	ssyncadd.s32 $0xFFFFD800  }
0x13a: {  	[spmem:s1] =	stream.indirect.scatter.add.f32 [tilespmem:s0], [sflag:$0x5], $0x80, s26, s3, $0xb8;
	[tilespmem:$0x1F800] =	vst v63  }
0x13b: {  	_ =	swait.ge [sflag:s7], $0x2800  }
0x13c: {  	[sflag:s7] =	ssyncset.done $0x0  }
0x13d: {  	s26 =	sadd.s32 $0x1E00, s25;
	[sflag:s7] =	ssyncadd.s32 $0xFFFFD800  }
0x13e: {  	[tilespmem:s18], [sflag:$0x1] =	stream.linear.gather [hbm4b:s26+s19], $0x2800, $0x38;
	[tilespmem:$0x1F800] =	vst v63  }
0x13f: {  	_ =	swait.ge [sflag:s8], $0x2800  }
0x140: {  	[sflag:s8] =	ssyncset.done $0x0  }
.Ltmp2:
0x141: {  	[sflag:s8] =	ssyncadd.s32 $0xFFFFD800;
	(pc) =	sbr.rel @p0 .LBB2_6-.Ltmp2, $4  }
0x142: {  	[spmem:s1] =	stream.indirect.scatter.add.f32 [tilespmem:s4], [sflag:$0x6], $0x80, s24, s3, $0xb8;
	[tilespmem:$0x1F800] =	vst v63  }
0x143: {  	_ =	swait.ge [sflag:s10], $0x2800  }
0x144: {  	[sflag:s10] =	ssyncset.done $0x0  }
0x145: {  	s25 =	sadd.s32 $0x2300, s25;
	s24 =	sadd.s32 $0x180, s24;
	[sflag:s10] =	ssyncadd.s32 $0xFFFFD800  }
0x146: {  	[tilespmem:s0], [sflag:$0x2] =	stream.linear.gather [hbm4b:s25+s19], $0x2800, $0x38;
	[tilespmem:$0x1F800] =	vst v63  }
0x147: {  	_ =	swait.ge [sflag:s2], $0x2800  }
0x148: {  	[sflag:s2] =	ssyncset.done $0x0  }
0x149: {  	[sflag:s2] =	ssyncadd.s32 $0xFFFFD800  }
0x14a: {  	[spmem:s1] =	stream.indirect.scatter.add.f32 [tilespmem:s18], [sflag:$0x4], $0x80, s12, s3, $0xb8;
	[tilespmem:$0x1F800] =	vst v63  }
0x14b: {  	_ =	swait.ge [sflag:s5], $0x2800  }
0x14c: {  	[sflag:s5] =	ssyncset.done $0x0  }
0x14d: {  	[sflag:s5] =	ssyncadd.s32 $0xFFFFD800  }
0x14e: {  	[spmem:s1] =	stream.indirect.scatter.add.f32 [tilespmem:s0], [sflag:$0x5], $0x80, s13, s3, $0xb8;
	[tilespmem:$0x1F800] =	vst v63  }
0x14f: {  	_ =	swait.ge [sflag:s7], $0x2800  }
0x150: {  	[sflag:s7] =	ssyncset.done $0x0  }
0x151: {  	[sflag:s7] =	ssyncadd.s32 $0xFFFFD800  }
0x152: {  	_ =	swait.ge [sflag:s10], $0x2800  }
0x153: {  	[sflag:s10] =	ssyncset.done $0x0  }
0x154: {  	[sflag:s10] =	ssyncadd.s32 $0xFFFFD800  }
0x155: {  	_ =	swait.ge [sflag:s11], $0x2800  }
0x156: {  	s14 =	sadd.s32 $0x1, s14;
	[sflag:s11] =	ssyncset.done $0x0  }
0x157: {  	p0 =	sne.s32 s14, s29;
	[sflag:s11] =	ssyncadd.s32 $0xFFFFD800  }
.Ltmp3:
0x158: {  	[bflag:$0x0] =	sbarrier.arrive $0xFFFF;
	(pc) =	sbr.rel @p0 .LBB2_1-.Ltmp3, $4  }
0x159: {  	[hbm:s28], [sflag:s15] =	dma.local [spmem:s16], $0x2800  }
0x15a: {  	_ =	swait.ge [sflag:s31], $0x2800  }
0x15b: {  	[sflag:s31] =	ssyncset.done $0x0  }
0x15c: {  	[sflag:s31] =	ssyncadd.s32 $0xFFFFD800  }
0x15d: {  	_ =	sfence.sel $0x180000  }
0x15e: {  	[bflag:$0x0] =	sbarrier.arrive $0xFFFF  }
0x15f: {  	_ =	strace $0x90000047  }
0x160: {  	s0 =	stileid.u32;
	[bflag:$0x2] =	sbarrier.arrive $0xFFFF  }
0x161: {  	p0 =	sne.s32 s0, $0x0;
	s0 =	rddreg [dreg:$0x5]  }
0x162: {  	s0 =	sadd.s32 @!p0 $0x100000, s0  }
0x163: {  	[sflag:s0] =	ssyncadd.tile.s32 @!p0 $0x1;
	_ =	shalt  }
.Lfunc_end2:
_tile_overlayer_lowered:
.L_overlay_start_2:
0x164: {  	(tag) =	ssettag $0x2  }
0x165: {  	s0 =	rddreg [dreg:$0x0];
	s2 =	stileid.u32  }
0x166: {  	s1 =	rddreg [dreg:$0x1];
	p0 =	sne.s32 s2, $0x0  }
0x167: {  	s3 =	rddreg [dreg:$0x2];
	[bflag:$0x3] =	sbarrier.arrive $0xFFFF;
	s2 =	simm.s32 @!p0 $0x1C07  }
0x168: {  	[timem:s3], [sflag:s2] =	dma.local @!p0 [hbm:s0], s1  }
0x169: {  	s0 =	simm.s32 @!p0 $0x7  }
0x16a: {  	_ =	swait.ge @!p0 [sflag:s0], s1  }
0x16b: {  	s1 =	ssub.s32 @!p0 $0x0, s1;
	[sflag:s0] =	ssyncset.done @!p0 $0x0  }
0x16c: {  	[sflag:s0] =	ssyncadd.s32 @!p0 s1  }
0x16d: {  	[bflag:$0x3] =	sbarrier.arrive $0xFFFF  }
0x16e: {  	_ =	shalt  }

</sc_bundles>
